<compile_context>
chip_gen: v7x
topology: tpu7x:2x2x1
jax: 0.10.2.dev20260603
libtpu: 0.0.44.dev20260713+nightly
codegen_flags: <defaults>
</compile_context>

<pallas_src>
import functools

import jax
import jax.numpy as jnp
from jax import lax
from jax.experimental import pallas as pl
from jax.experimental.pallas import tpu as pltpu
from jax.experimental.pallas import tpu_sc as plsc

N = 10000
E = 160000
D = 256
H = 128
G = 64
NPAD = 10240
NS = 16
EC = 125
NCH = E // NS // EC
NCH2 = E // 2 // NS // EC
DW = 128
BN = 2000
GRID = N // BN

@functools.cache
def _sc_kernels():
    mesh = plsc.VectorSubcoreMesh(core_axis_name="c", subcore_axis_name="s")
    deg_fn = functools.partial(
        pl.kernel,
        out_type=jax.ShapeDtypeStruct((2 * NPAD, DW), jnp.float32),
        mesh=mesh,
        scratch_types=[
            pltpu.VMEM_SHARED((NPAD, DW), jnp.float32),
            pltpu.VMEM((NCH2, EC), jnp.int32),
            pltpu.VMEM((EC, DW), jnp.float32),
        ],
    )(_deg_body)
    spmm_fn = functools.partial(
        pl.kernel,
        out_type=jax.ShapeDtypeStruct((2 * NPAD, H), jnp.float32),
        mesh=mesh,
        scratch_types=[
            pltpu.VMEM_SHARED((NPAD, H), jnp.float32),
            pltpu.VMEM((NCH // 2, EC), jnp.int32),
            pltpu.VMEM((NCH // 2, EC), jnp.int32),
            pltpu.VMEM((EC, H), jnp.float32),
            pltpu.VMEM((EC, H), jnp.float32),
            pltpu.SemaphoreType.DMA,
            pltpu.SemaphoreType.DMA,
        ],
    )(_spmm_body)
    return deg_fn, spmm_fn


def _deg_body(dst_hbm, ones_hbm, zeros_hbm, deg_hbm, degw, idxd, ones_v):
    c = lax.axis_index("c")
    s = lax.axis_index("s")
    r0 = s * (NPAD // NS)
    pltpu.sync_copy(zeros_hbm, degw.at[pl.ds(r0, NPAD // NS)])
    pltpu.sync_copy(ones_hbm, ones_v)
    pltpu.sync_copy(dst_hbm.at[c, s], idxd)
    plsc.subcore_barrier()

    def chunk(j, carry):
        pltpu.sync_copy(ones_v, degw.at[idxd.at[j]], add=True)
        return carry

    lax.fori_loop(0, NCH2, chunk, 0)
    plsc.subcore_barrier()
    pltpu.sync_copy(degw.at[pl.ds(r0, NPAD // NS)],
                    deg_hbm.at[pl.ds(c * NPAD + r0, NPAD // NS)])


def _spmm_body(hs_hbm, srcoff_hbm, dst_hbm, out_hbm, agg, idxs, idxd, rows0,
               rows1, sem0, sem1):
    c = lax.axis_index("c")
    s = lax.axis_index("s")
    r0 = s * (NPAD // NS)
    base = c * NPAD
    def seed(i, carry):
        pltpu.sync_copy(hs_hbm.at[pl.ds(base + r0 + i * 128, 128)],
                        agg.at[pl.ds(r0 + i * 128, 128)])
        return carry

    lax.fori_loop(0, (NPAD // NS) // 128, seed, 0)
    plsc.subcore_barrier()

    HCH = NCH // 2
    for h in range(2):
        pltpu.sync_copy(srcoff_hbm.at[c, s, h], idxs)
        pltpu.sync_copy(dst_hbm.at[s, h], idxd)
        pltpu.async_copy(hs_hbm.at[idxs.at[0]], rows0, sem0)
        pltpu.async_copy(hs_hbm.at[idxs.at[1]], rows1, sem1)

        def pair(k, carry):
            j0 = 2 * k
            j1 = j0 + 1
            j2 = jnp.minimum(j0 + 2, HCH - 1)
            j3 = jnp.minimum(j0 + 3, HCH - 1)
            pltpu.make_async_copy(hs_hbm.at[idxs.at[j0]], rows0, sem0).wait()
            pltpu.sync_copy(rows0, agg.at[idxd.at[j0]], add=True)
            pltpu.async_copy(hs_hbm.at[idxs.at[j2]], rows0, sem0)
            pltpu.make_async_copy(hs_hbm.at[idxs.at[j1]], rows1, sem1).wait()
            pltpu.sync_copy(rows1, agg.at[idxd.at[j1]], add=True)
            pltpu.async_copy(hs_hbm.at[idxs.at[j3]], rows1, sem1)
            return carry

        lax.fori_loop(0, HCH // 2, pair, 0)
        pltpu.make_async_copy(hs_hbm.at[idxs.at[HCH - 1]], rows0, sem0).wait()
        pltpu.make_async_copy(hs_hbm.at[idxs.at[HCH - 1]], rows1, sem1).wait()
    plsc.subcore_barrier()

    def wb(i, carry):
        pltpu.sync_copy(agg.at[pl.ds(r0 + i * 128, 128)],
                        out_hbm.at[pl.ds(base + r0 + i * 128, 128)])
        return carry

    lax.fori_loop(0, (NPAD // NS) // 128, wb, 0)


def _embed_body(x_ref, we_ref, be_ref, w1_ref, deg_ref, out_ref):
    dinv = lax.rsqrt(deg_ref[...] + 1.0)
    h0 = jnp.dot(x_ref[...], we_ref[...],
                 preferred_element_type=jnp.float32) + be_ref[...]
    t1 = jnp.dot(h0, w1_ref[...], preferred_element_type=jnp.float32)
    hs = t1 * dinv
    out_ref[0] = hs[:, :H]
    out_ref[1] = hs[:, H:]


_embed_fn = pl.pallas_call(
    _embed_body,
    grid=(GRID,),
    in_specs=[
        pl.BlockSpec((BN, D), lambda i: (i, 0)),
        pl.BlockSpec((D, D), lambda i: (0, 0)),
        pl.BlockSpec((1, D), lambda i: (0, 0)),
        pl.BlockSpec((D, D), lambda i: (0, 0)),
        pl.BlockSpec((BN, 1), lambda i: (i, 0)),
    ],
    out_specs=pl.BlockSpec((2, BN, H), lambda i: (0, i, 0)),
    out_shape=jax.ShapeDtypeStruct((2, NPAD, H), jnp.float32),
)


def _mid_body(agg_ref, deg_ref, b1_ref, w2_ref, out_ref):
    dinv = lax.rsqrt(deg_ref[...] + 1.0)
    a = agg_ref[...]
    h1 = jnp.concatenate([a[0], a[1]], axis=1)
    h1 = jax.nn.relu(h1 * dinv + b1_ref[...])
    t2 = jnp.dot(h1, w2_ref[...], preferred_element_type=jnp.float32)
    hs = t2 * dinv
    out_ref[0] = hs[:, :H]
    out_ref[1] = hs[:, H:]


_mid_fn = pl.pallas_call(
    _mid_body,
    grid=(GRID,),
    in_specs=[
        pl.BlockSpec((2, BN, H), lambda i: (0, i, 0)),
        pl.BlockSpec((BN, 1), lambda i: (i, 0)),
        pl.BlockSpec((1, D), lambda i: (0, 0)),
        pl.BlockSpec((D, D), lambda i: (0, 0)),
    ],
    out_specs=pl.BlockSpec((2, BN, H), lambda i: (0, i, 0)),
    out_shape=jax.ShapeDtypeStruct((2, NPAD, H), jnp.float32),
)


def _pool_body(agg_ref, deg_ref, b2_ref, batch_ref, out_ref):
    dinv = lax.rsqrt(deg_ref[...] + 1.0)
    a = agg_ref[...]
    h2 = jnp.concatenate([a[0], a[1]], axis=1)
    h2 = jax.nn.relu(h2 * dinv + b2_ref[...])
    gid = lax.broadcasted_iota(jnp.int32, (BN, G), 1)
    oh = (batch_ref[...] == gid).astype(jnp.float32)
    pooled = lax.dot_general(oh, h2, (((0,), (0,)), ((), ())),
                             preferred_element_type=jnp.float32)
    i = pl.program_id(0)

    @pl.when(i == 0)
    def _():
        out_ref[...] = pooled

    @pl.when(i > 0)
    def _():
        out_ref[...] += pooled


_pool_fn = pl.pallas_call(
    _pool_body,
    grid=(GRID,),
    in_specs=[
        pl.BlockSpec((2, BN, H), lambda i: (0, i, 0)),
        pl.BlockSpec((BN, 1), lambda i: (i, 0)),
        pl.BlockSpec((1, D), lambda i: (0, 0)),
        pl.BlockSpec((BN, 1), lambda i: (i, 0)),
    ],
    out_specs=pl.BlockSpec((G, D), lambda i: (0, 0)),
    out_shape=jax.ShapeDtypeStruct((G, D), jnp.float32),
)


def kernel(x, edge_index, batch, W_emb, b_emb, W1, b1, W2, b2):
    src = edge_index[0]
    dst = edge_index[1]
    srcoff = jnp.stack([src, src + NPAD]).reshape(2, NS, 2, NCH // 2, EC)
    dst3 = dst.reshape(NS, 2, NCH // 2, EC)
    dst4 = dst.reshape(2, NS, NCH2, EC)
    ones_rows = jnp.ones((EC, DW), jnp.float32)
    zeros_slab = jnp.zeros((NPAD // NS, DW), jnp.float32)

    deg_fn, spmm_fn = _sc_kernels()
    degp = deg_fn(dst4, ones_rows, zeros_slab)
    deg2d = degp[:N, 0:1] + degp[NPAD:NPAD + N, 0:1]

    hs1 = _embed_fn(x, W_emb, b_emb.reshape(1, D), W1, deg2d)
    agg1 = spmm_fn(hs1.reshape(2 * NPAD, H), srcoff, dst3)
    hs2 = _mid_fn(agg1.reshape(2, NPAD, H), deg2d, b1.reshape(1, D), W2)
    agg2 = spmm_fn(hs2.reshape(2 * NPAD, H), srcoff, dst3)
    return _pool_fn(agg2.reshape(2, NPAD, H), deg2d, b2.reshape(1, D),
                    batch.reshape(N, 1))

# --- scband reference (transcript-rebuilt; emitter-appended) ---
"""Pipeline reference for scband-basic-gcn-4612794876401 (READ-ONLY COPY).

The authoritative reference and input builder live on the scoring server;
editing this copy changes nothing except your own understanding.
"""

import jax, jax.numpy as jnp
import numpy as np

N_NODES = 10000
N_EDGES = 160000
D_IN = 256
D_HID = 256
D_OUT = 256
N_GRAPHS = 64


def _gcn_conv(h, edge_index, W, b):
    # GCNConv (Kipf & Welling): out = D^{-1/2} (A + I) D^{-1/2} (h W) + b
    N = h.shape[0]
    loop = jnp.arange(N, dtype=edge_index.dtype)
    src = jnp.concatenate([edge_index[0], loop])
    dst = jnp.concatenate([edge_index[1], loop])
    h = h @ W
    ones = jnp.ones(src.shape[0], dtype=h.dtype)
    deg = jax.ops.segment_sum(ones, dst, num_segments=N)
    deg_inv_sqrt = jnp.where(deg > 0, deg ** -0.5, 0.0)
    norm = deg_inv_sqrt[src] * deg_inv_sqrt[dst]
    msgs = h[src] * norm[:, None]
    out = jax.ops.segment_sum(msgs, dst, num_segments=N)
    return out + b


def setup_inputs(seed: int = 0) -> dict:
    key = jax.random.key(seed)
    ks = jax.random.split(key, 12)
    x = jax.random.normal(ks[0], (N_NODES, D_IN), dtype=jnp.float32)
    edge_index = jax.random.randint(ks[1], (2, N_EDGES), 0, N_NODES, dtype=jnp.int32)
    batch = jnp.sort(jax.random.randint(ks[2], (N_NODES,), 0, N_GRAPHS, dtype=jnp.int32))
    s_emb = 1.0 / np.sqrt(D_IN)
    s_hid = 1.0 / np.sqrt(D_HID)
    W_emb = jax.random.normal(ks[3], (D_IN, D_HID), dtype=jnp.float32) * s_emb
    b_emb = jnp.zeros((D_HID,), dtype=jnp.float32)
    W1 = jax.random.normal(ks[4], (D_HID, D_HID), dtype=jnp.float32) * s_hid
    b1 = jnp.zeros((D_HID,), dtype=jnp.float32)
    W2 = jax.random.normal(ks[5], (D_HID, D_HID), dtype=jnp.float32) * s_hid
    b2 = jnp.zeros((D_HID,), dtype=jnp.float32)
    return {"x": x, "edge_index": edge_index, "batch": batch,
            "W_emb": W_emb, "b_emb": b_emb, "W1": W1, "b1": b1, "W2": W2, "b2": b2}


def reference(x, edge_index, batch, W_emb, b_emb, W1, b1, W2, b2):
    # embedding linear
    h = x @ W_emb + b_emb
    # conv_layers[:-1] with relu (per original forward, only these affect the output)
    h = jax.nn.relu(_gcn_conv(h, edge_index, W1, b1))
    h = jax.nn.relu(_gcn_conv(h, edge_index, W2, b2))
    # global_add_pool over graph ids
    yhat = jax.ops.segment_sum(h, batch, num_segments=N_GRAPHS)
    return yhat

if __name__ == "__main__":
    import jax
    _d = setup_inputs()
    print(jax.jit(kernel)(*tuple(_d.values())))

</pallas_src>

<mosaic_0001>
#map = affine_map<(d0, d1) -> (0, 0, 0, 0)>
#map1 = affine_map<(d0, d1) -> (0, 0)>
module attributes {stable_mosaic.version = 14 : i64} {
  func.func @_deg_body(%arg0: i32, %arg1: i32, %arg2: memref<2x16x40x125xi32, #tpu.memory_space<hbm>>, %arg3: memref<125x128xf32, #tpu.memory_space<hbm>>, %arg4: memref<640x128xf32, #tpu.memory_space<hbm>>, %arg5: memref<20480x128xf32, #tpu.memory_space<hbm>>, %arg6: memref<10240x128xf32, #tpu.memory_space<vmem_shared>>, %arg7: memref<40x125xi32, #tpu.memory_space<vmem>>, %arg8: memref<125x128xf32, #tpu.memory_space<vmem>>) attributes {dimension_semantics = [#tpu.dimension_semantics<core_parallel>, #tpu.dimension_semantics<subcore_parallel>], iteration_bounds = array<i64: 2, 16>, scalar_prefetch = 0 : i64, scratch_operands = 3 : i64, tpu.core_type = #tpu.core_type<sc_vector_subcore>, window_params = [{transform_indices = #map}, {transform_indices = #map1}, {transform_indices = #map1}, {transform_indices = #map1}]} {
    %mul3A = arith.constant 640 : i32
    %mul3A_0 = arith.muli %arg1, %mul3A : i32
    "tpu.region"() ({
      %run_scoped3A = tpu.sem_alloc : memref<!tpu.dma_semaphore, #tpu.memory_space<semaphore_mem>>
      %dma_start3A = arith.constant 0 : i32
      %dma_start3A_9 = tpu.memref_slice %arg6[%mul3A_0, %dma_start3A] : memref<10240x128xf32, #tpu.memory_space<vmem_shared>> -> memref<640x128xf32, #tpu.memory_space<vmem_shared>>
      tpu.enqueue_dma source(%arg4 : memref<640x128xf32, #tpu.memory_space<hbm>>) target(%dma_start3A_9 : memref<640x128xf32, #tpu.memory_space<vmem_shared>>) target_semaphore(%run_scoped3A : memref<!tpu.dma_semaphore, #tpu.memory_space<semaphore_mem>>)
      %dma_wait3A = arith.constant 0 : i32
      %dma_wait3A_10 = tpu.memref_slice %arg6[%mul3A_0, %dma_wait3A] : memref<10240x128xf32, #tpu.memory_space<vmem_shared>> -> memref<640x128xf32, #tpu.memory_space<vmem_shared>>
      tpu.wait_dma2 semaphore(%run_scoped3A : memref<!tpu.dma_semaphore, #tpu.memory_space<semaphore_mem>>) src(%arg4 : memref<640x128xf32, #tpu.memory_space<hbm>>) dst(%dma_wait3A_10 : memref<640x128xf32, #tpu.memory_space<vmem_shared>>)
      tpu.yield
    }) : () -> ()
    "tpu.region"() ({
      %run_scoped3A = tpu.sem_alloc : memref<!tpu.dma_semaphore, #tpu.memory_space<semaphore_mem>>
      tpu.enqueue_dma source(%arg3 : memref<125x128xf32, #tpu.memory_space<hbm>>) target(%arg8 : memref<125x128xf32, #tpu.memory_space<vmem>>) target_semaphore(%run_scoped3A : memref<!tpu.dma_semaphore, #tpu.memory_space<semaphore_mem>>)
      tpu.wait_dma2 semaphore(%run_scoped3A : memref<!tpu.dma_semaphore, #tpu.memory_space<semaphore_mem>>) src(%arg3 : memref<125x128xf32, #tpu.memory_space<hbm>>) dst(%arg8 : memref<125x128xf32, #tpu.memory_space<vmem>>)
      tpu.yield
    }) : () -> ()
    "tpu.region"() ({
      %run_scoped3A = tpu.sem_alloc : memref<!tpu.dma_semaphore, #tpu.memory_space<semaphore_mem>>
      %dma_start3A = arith.constant 0 : i32
      %dma_start3A_9 = arith.constant 0 : i32
      %dma_start3A_10 = tpu.memref_slice %arg2[%arg0, %arg1, %dma_start3A, %dma_start3A_9] : memref<2x16x40x125xi32, #tpu.memory_space<hbm>> -> memref<1x1x40x125xi32, #tpu.memory_space<hbm>>
      %dma_start3A_11 = tpu.memref_squeeze %dma_start3A_10 : memref<1x1x40x125xi32, #tpu.memory_space<hbm>> -> memref<40x125xi32, #tpu.memory_space<hbm>>
      %dma_start3A_12 = arith.constant 0 : i32
      %dma_start3A_13 = arith.constant 0 : i32
      %dma_start3A_14 = tpu.memref_slice %arg2[%arg0, %arg1, %dma_start3A_12, %dma_start3A_13] : memref<2x16x40x125xi32, #tpu.memory_space<hbm>> -> memref<1x1x40x125xi32, #tpu.memory_space<hbm>>
      %dma_start3A_15 = tpu.memref_squeeze %dma_start3A_14 : memref<1x1x40x125xi32, #tpu.memory_space<hbm>> -> memref<40x125xi32, #tpu.memory_space<hbm>>
      tpu.enqueue_dma source(%dma_start3A_15 : memref<40x125xi32, #tpu.memory_space<hbm>>) target(%arg7 : memref<40x125xi32, #tpu.memory_space<vmem>>) target_semaphore(%run_scoped3A : memref<!tpu.dma_semaphore, #tpu.memory_space<semaphore_mem>>)
      %dma_wait3A = arith.constant 0 : i32
      %dma_wait3A_16 = arith.constant 0 : i32
      %dma_wait3A_17 = tpu.memref_slice %arg2[%arg0, %arg1, %dma_wait3A, %dma_wait3A_16] : memref<2x16x40x125xi32, #tpu.memory_space<hbm>> -> memref<1x1x40x125xi32, #tpu.memory_space<hbm>>
      %dma_wait3A_18 = tpu.memref_squeeze %dma_wait3A_17 : memref<1x1x40x125xi32, #tpu.memory_space<hbm>> -> memref<40x125xi32, #tpu.memory_space<hbm>>
      %dma_wait3A_19 = arith.constant 0 : i32
      %dma_wait3A_20 = arith.constant 0 : i32
      %dma_wait3A_21 = tpu.memref_slice %arg2[%arg0, %arg1, %dma_wait3A_19, %dma_wait3A_20] : memref<2x16x40x125xi32, #tpu.memory_space<hbm>> -> memref<1x1x40x125xi32, #tpu.memory_space<hbm>>
      %dma_wait3A_22 = tpu.memref_squeeze %dma_wait3A_21 : memref<1x1x40x125xi32, #tpu.memory_space<hbm>> -> memref<40x125xi32, #tpu.memory_space<hbm>>
      tpu.wait_dma2 semaphore(%run_scoped3A : memref<!tpu.dma_semaphore, #tpu.memory_space<semaphore_mem>>) src(%dma_wait3A_22 : memref<40x125xi32, #tpu.memory_space<hbm>>) dst(%arg7 : memref<40x125xi32, #tpu.memory_space<vmem>>)
      tpu.yield
    }) : () -> ()
    %barrier3A = arith.constant 0 : index
    tpu.barrier barrier_id(%barrier3A)
    %scan3A = arith.constant 0 : i32
    %scan3A_1 = arith.constant 0 : i32
    %scan3A_2 = arith.constant 40 : i32
    %scan3A_3 = arith.addi %scan3A_1, %scan3A_2 : i32
    %scan3A_4 = arith.constant 1 : i32
    scf.for %scan3A_9 = %scan3A_1 to %scan3A_3 step %scan3A_4  : i32 {
      "tpu.region"() ({
        %run_scoped3A = tpu.sem_alloc : memref<!tpu.dma_semaphore, #tpu.memory_space<semaphore_mem>>
        %dma_start3A = arith.constant 0 : i32
        %dma_start3A_10 = tpu.memref_slice %arg7[%scan3A_9, %dma_start3A] : memref<40x125xi32, #tpu.memory_space<vmem>> -> memref<1x125xi32, #tpu.memory_space<vmem>>
        %dma_start3A_11 = tpu.memref_squeeze %dma_start3A_10 : memref<1x125xi32, #tpu.memory_space<vmem>> -> memref<125xi32, #tpu.memory_space<vmem>>
        %dma_start3A_12 = arith.constant 0 : i32
        %dma_start3A_13 = arith.constant 0 : i32
        %dma_start3A_14 = tpu.memref_slice %arg6[%dma_start3A_12, %dma_start3A_13] : memref<10240x128xf32, #tpu.memory_space<vmem_shared>> -> memref<10240x128xf32, #tpu.memory_space<vmem_shared>>
        tpu.enqueue_indirect_dma source(%arg8 : memref<125x128xf32, #tpu.memory_space<vmem>>) target(%dma_start3A_14 : memref<10240x128xf32, #tpu.memory_space<vmem_shared>>) offsets(%dma_start3A_11 : memref<125xi32, #tpu.memory_space<vmem>>) semaphore(%run_scoped3A : memref<!tpu.dma_semaphore, #tpu.memory_space<semaphore_mem>>) {add = true}
        %dma_wait3A = arith.constant 0 : i32
        %dma_wait3A_15 = tpu.memref_slice %arg7[%scan3A_9, %dma_wait3A] : memref<40x125xi32, #tpu.memory_space<vmem>> -> memref<1x125xi32, #tpu.memory_space<vmem>>
        %dma_wait3A_16 = tpu.memref_squeeze %dma_wait3A_15 : memref<1x125xi32, #tpu.memory_space<vmem>> -> memref<125xi32, #tpu.memory_space<vmem>>
        %dma_wait3A_17 = arith.constant 0 : i32
        %dma_wait3A_18 = arith.constant 0 : i32
        %dma_wait3A_19 = tpu.memref_slice %arg6[%dma_wait3A_17, %dma_wait3A_18] : memref<10240x128xf32, #tpu.memory_space<vmem_shared>> -> memref<10240x128xf32, #tpu.memory_space<vmem_shared>>
        tpu.wait_indirect_dma semaphore(%run_scoped3A : memref<!tpu.dma_semaphore, #tpu.memory_space<semaphore_mem>>) src(%arg8 : memref<125x128xf32, #tpu.memory_space<vmem>>) dst(%dma_wait3A_19 : memref<10240x128xf32, #tpu.memory_space<vmem_shared>>)
        tpu.yield
      }) : () -> ()
    }
    %scan3A_5 = arith.constant 40 : i32
    %barrier3A_6 = arith.constant 0 : index
    tpu.barrier barrier_id(%barrier3A_6)
    %mul3A_7 = arith.constant 10240 : i32
    %mul3A_8 = arith.muli %arg0, %mul3A_7 : i32
    %add3A = arith.addi %mul3A_8, %mul3A_0 : i32
    "tpu.region"() ({
      %run_scoped3A = tpu.sem_alloc : memref<!tpu.dma_semaphore, #tpu.memory_space<semaphore_mem>>
      %dma_start3A = arith.constant 0 : i32
      %dma_start3A_9 = tpu.memref_slice %arg5[%add3A, %dma_start3A] : memref<20480x128xf32, #tpu.memory_space<hbm>> -> memref<640x128xf32, #tpu.memory_space<hbm>>
      %dma_start3A_10 = arith.constant 0 : i32
      %dma_start3A_11 = tpu.memref_slice %arg6[%mul3A_0, %dma_start3A_10] : memref<10240x128xf32, #tpu.memory_space<vmem_shared>> -> memref<640x128xf32, #tpu.memory_space<vmem_shared>>
      tpu.enqueue_dma source(%dma_start3A_11 : memref<640x128xf32, #tpu.memory_space<vmem_shared>>) target(%dma_start3A_9 : memref<640x128xf32, #tpu.memory_space<hbm>>) target_semaphore(%run_scoped3A : memref<!tpu.dma_semaphore, #tpu.memory_space<semaphore_mem>>)
      %dma_wait3A = arith.constant 0 : i32
      %dma_wait3A_12 = tpu.memref_slice %arg5[%add3A, %dma_wait3A] : memref<20480x128xf32, #tpu.memory_space<hbm>> -> memref<640x128xf32, #tpu.memory_space<hbm>>
      %dma_wait3A_13 = arith.constant 0 : i32
      %dma_wait3A_14 = tpu.memref_slice %arg6[%mul3A_0, %dma_wait3A_13] : memref<10240x128xf32, #tpu.memory_space<vmem_shared>> -> memref<640x128xf32, #tpu.memory_space<vmem_shared>>
      tpu.wait_dma2 semaphore(%run_scoped3A : memref<!tpu.dma_semaphore, #tpu.memory_space<semaphore_mem>>) src(%dma_wait3A_14 : memref<640x128xf32, #tpu.memory_space<vmem_shared>>) dst(%dma_wait3A_12 : memref<640x128xf32, #tpu.memory_space<hbm>>)
      tpu.yield
    }) : () -> ()
    return
  }
}

#map = affine_map<(d0, d1) -> (0, 0)>
#map1 = affine_map<(d0, d1) -> (0, 0, 0, 0, 0)>
#map2 = affine_map<(d0, d1) -> (0, 0, 0, 0)>
module attributes {stable_mosaic.version = 14 : i64} {
  func.func @_spmm_body(%arg0: i32, %arg1: i32, %arg2: memref<20480x128xf32, #tpu.memory_space<hbm>>, %arg3: memref<2x16x2x40x125xi32, #tpu.memory_space<hbm>>, %arg4: memref<16x2x40x125xi32, #tpu.memory_space<hbm>>, %arg5: memref<20480x128xf32, #tpu.memory_space<hbm>>, %arg6: memref<10240x128xf32, #tpu.memory_space<vmem_shared>>, %arg7: memref<40x125xi32, #tpu.memory_space<vmem>>, %arg8: memref<40x125xi32, #tpu.memory_space<vmem>>, %arg9: memref<125x128xf32, #tpu.memory_space<vmem>>, %arg10: memref<125x128xf32, #tpu.memory_space<vmem>>, %arg11: memref<!tpu.dma_semaphore, #tpu.memory_space<semaphore_mem>>, %arg12: memref<!tpu.dma_semaphore, #tpu.memory_space<semaphore_mem>>) attributes {dimension_semantics = [#tpu.dimension_semantics<core_parallel>, #tpu.dimension_semantics<subcore_parallel>], iteration_bounds = array<i64: 2, 16>, scalar_prefetch = 0 : i64, scratch_operands = 7 : i64, tpu.core_type = #tpu.core_type<sc_vector_subcore>, window_params = [{transform_indices = #map}, {transform_indices = #map1}, {transform_indices = #map2}, {transform_indices = #map}]} {
    %mul3A = arith.constant 640 : i32
    %mul3A_0 = arith.muli %arg1, %mul3A : i32
    %mul3A_1 = arith.constant 10240 : i32
    %mul3A_2 = arith.muli %arg0, %mul3A_1 : i32
    %scan3A = arith.constant 0 : i32
    %scan3A_3 = arith.constant 0 : i32
    %scan3A_4 = arith.constant 5 : i32
    %scan3A_5 = arith.addi %scan3A_3, %scan3A_4 : i32
    %scan3A_6 = arith.constant 1 : i32
    scf.for %scan3A_84 = %scan3A_3 to %scan3A_5 step %scan3A_6  : i32 {
      %add3A = arith.addi %mul3A_2, %mul3A_0 : i32
      %mul3A_85 = arith.constant 128 : i32
      %mul3A_86 = arith.muli %scan3A_84, %mul3A_85 : i32
      %add3A_87 = arith.addi %add3A, %mul3A_86 : i32
      %mul3A_88 = arith.constant 128 : i32
      %mul3A_89 = arith.muli %scan3A_84, %mul3A_88 : i32
      %add3A_90 = arith.addi %mul3A_0, %mul3A_89 : i32
      "tpu.region"() ({
        %run_scoped3A_91 = tpu.sem_alloc : memref<!tpu.dma_semaphore, #tpu.memory_space<semaphore_mem>>
        %dma_start3A_92 = arith.constant 0 : i32
        %dma_start3A_93 = tpu.memref_slice %arg6[%add3A_90, %dma_start3A_92] : memref<10240x128xf32, #tpu.memory_space<vmem_shared>> -> memref<128x128xf32, #tpu.memory_space<vmem_shared>>
        %dma_start3A_94 = arith.constant 0 : i32
        %dma_start3A_95 = tpu.memref_slice %arg2[%add3A_87, %dma_start3A_94] : memref<20480x128xf32, #tpu.memory_space<hbm>> -> memref<128x128xf32, #tpu.memory_space<hbm>>
        tpu.enqueue_dma source(%dma_start3A_95 : memref<128x128xf32, #tpu.memory_space<hbm>>) target(%dma_start3A_93 : memref<128x128xf32, #tpu.memory_space<vmem_shared>>) target_semaphore(%run_scoped3A_91 : memref<!tpu.dma_semaphore, #tpu.memory_space<semaphore_mem>>)
        %dma_wait3A_96 = arith.constant 0 : i32
        %dma_wait3A_97 = tpu.memref_slice %arg6[%add3A_90, %dma_wait3A_96] : memref<10240x128xf32, #tpu.memory_space<vmem_shared>> -> memref<128x128xf32, #tpu.memory_space<vmem_shared>>
        %dma_wait3A_98 = arith.constant 0 : i32
        %dma_wait3A_99 = tpu.memref_slice %arg2[%add3A_87, %dma_wait3A_98] : memref<20480x128xf32, #tpu.memory_space<hbm>> -> memref<128x128xf32, #tpu.memory_space<hbm>>
        tpu.wait_dma2 semaphore(%run_scoped3A_91 : memref<!tpu.dma_semaphore, #tpu.memory_space<semaphore_mem>>) src(%dma_wait3A_99 : memref<128x128xf32, #tpu.memory_space<hbm>>) dst(%dma_wait3A_97 : memref<128x128xf32, #tpu.memory_space<vmem_shared>>)
        tpu.yield
      }) : () -> ()
    }
    %scan3A_7 = arith.constant 5 : i32
    %barrier3A = arith.constant 0 : index
    tpu.barrier barrier_id(%barrier3A)
    %run_scoped3A = arith.constant 0 : i32
    "tpu.region"() ({
      %run_scoped3A_84 = tpu.sem_alloc : memref<!tpu.dma_semaphore, #tpu.memory_space<semaphore_mem>>
      %dma_start3A_85 = arith.constant 0 : i32
      %dma_start3A_86 = arith.constant 0 : i32
      %dma_start3A_87 = tpu.memref_slice %arg3[%arg0, %arg1, %run_scoped3A, %dma_start3A_85, %dma_start3A_86] : memref<2x16x2x40x125xi32, #tpu.memory_space<hbm>> -> memref<1x1x1x40x125xi32, #tpu.memory_space<hbm>>
      %dma_start3A_88 = tpu.memref_squeeze %dma_start3A_87 : memref<1x1x1x40x125xi32, #tpu.memory_space<hbm>> -> memref<40x125xi32, #tpu.memory_space<hbm>>
      %dma_start3A_89 = arith.constant 0 : i32
      %dma_start3A_90 = arith.constant 0 : i32
      %dma_start3A_91 = tpu.memref_slice %arg3[%arg0, %arg1, %run_scoped3A, %dma_start3A_89, %dma_start3A_90] : memref<2x16x2x40x125xi32, #tpu.memory_space<hbm>> -> memref<1x1x1x40x125xi32, #tpu.memory_space<hbm>>
      %dma_start3A_92 = tpu.memref_squeeze %dma_start3A_91 : memref<1x1x1x40x125xi32, #tpu.memory_space<hbm>> -> memref<40x125xi32, #tpu.memory_space<hbm>>
      tpu.enqueue_dma source(%dma_start3A_92 : memref<40x125xi32, #tpu.memory_space<hbm>>) target(%arg7 : memref<40x125xi32, #tpu.memory_space<vmem>>) target_semaphore(%run_scoped3A_84 : memref<!tpu.dma_semaphore, #tpu.memory_space<semaphore_mem>>)
      %dma_wait3A_93 = arith.constant 0 : i32
      %dma_wait3A_94 = arith.constant 0 : i32
      %dma_wait3A_95 = tpu.memref_slice %arg3[%arg0, %arg1, %run_scoped3A, %dma_wait3A_93, %dma_wait3A_94] : memref<2x16x2x40x125xi32, #tpu.memory_space<hbm>> -> memref<1x1x1x40x125xi32, #tpu.memory_space<hbm>>
      %dma_wait3A_96 = tpu.memref_squeeze %dma_wait3A_95 : memref<1x1x1x40x125xi32, #tpu.memory_space<hbm>> -> memref<40x125xi32, #tpu.memory_space<hbm>>
      %dma_wait3A_97 = arith.constant 0 : i32
      %dma_wait3A_98 = arith.constant 0 : i32
      %dma_wait3A_99 = tpu.memref_slice %arg3[%arg0, %arg1, %run_scoped3A, %dma_wait3A_97, %dma_wait3A_98] : memref<2x16x2x40x125xi32, #tpu.memory_space<hbm>> -> memref<1x1x1x40x125xi32, #tpu.memory_space<hbm>>
      %dma_wait3A_100 = tpu.memref_squeeze %dma_wait3A_99 : memref<1x1x1x40x125xi32, #tpu.memory_space<hbm>> -> memref<40x125xi32, #tpu.memory_space<hbm>>
      tpu.wait_dma2 semaphore(%run_scoped3A_84 : memref<!tpu.dma_semaphore, #tpu.memory_space<semaphore_mem>>) src(%dma_wait3A_100 : memref<40x125xi32, #tpu.memory_space<hbm>>) dst(%arg7 : memref<40x125xi32, #tpu.memory_space<vmem>>)
      tpu.yield
    }) : () -> ()
    %run_scoped3A_8 = arith.constant 0 : i32
    "tpu.region"() ({
      %run_scoped3A_84 = tpu.sem_alloc : memref<!tpu.dma_semaphore, #tpu.memory_space<semaphore_mem>>
      %dma_start3A_85 = arith.constant 0 : i32
      %dma_start3A_86 = arith.constant 0 : i32
      %dma_start3A_87 = tpu.memref_slice %arg4[%arg1, %run_scoped3A_8, %dma_start3A_85, %dma_start3A_86] : memref<16x2x40x125xi32, #tpu.memory_space<hbm>> -> memref<1x1x40x125xi32, #tpu.memory_space<hbm>>
      %dma_start3A_88 = tpu.memref_squeeze %dma_start3A_87 : memref<1x1x40x125xi32, #tpu.memory_space<hbm>> -> memref<40x125xi32, #tpu.memory_space<hbm>>
      %dma_start3A_89 = arith.constant 0 : i32
      %dma_start3A_90 = arith.constant 0 : i32
      %dma_start3A_91 = tpu.memref_slice %arg4[%arg1, %run_scoped3A_8, %dma_start3A_89, %dma_start3A_90] : memref<16x2x40x125xi32, #tpu.memory_space<hbm>> -> memref<1x1x40x125xi32, #tpu.memory_space<hbm>>
      %dma_start3A_92 = tpu.memref_squeeze %dma_start3A_91 : memref<1x1x40x125xi32, #tpu.memory_space<hbm>> -> memref<40x125xi32, #tpu.memory_space<hbm>>
      tpu.enqueue_dma source(%dma_start3A_92 : memref<40x125xi32, #tpu.memory_space<hbm>>) target(%arg8 : memref<40x125xi32, #tpu.memory_space<vmem>>) target_semaphore(%run_scoped3A_84 : memref<!tpu.dma_semaphore, #tpu.memory_space<semaphore_mem>>)
      %dma_wait3A_93 = arith.constant 0 : i32
      %dma_wait3A_94 = arith.constant 0 : i32
      %dma_wait3A_95 = tpu.memref_slice %arg4[%arg1, %run_scoped3A_8, %dma_wait3A_93, %dma_wait3A_94] : memref<16x2x40x125xi32, #tpu.memory_space<hbm>> -> memref<1x1x40x125xi32, #tpu.memory_space<hbm>>
      %dma_wait3A_96 = tpu.memref_squeeze %dma_wait3A_95 : memref<1x1x40x125xi32, #tpu.memory_space<hbm>> -> memref<40x125xi32, #tpu.memory_space<hbm>>
      %dma_wait3A_97 = arith.constant 0 : i32
      %dma_wait3A_98 = arith.constant 0 : i32
      %dma_wait3A_99 = tpu.memref_slice %arg4[%arg1, %run_scoped3A_8, %dma_wait3A_97, %dma_wait3A_98] : memref<16x2x40x125xi32, #tpu.memory_space<hbm>> -> memref<1x1x40x125xi32, #tpu.memory_space<hbm>>
      %dma_wait3A_100 = tpu.memref_squeeze %dma_wait3A_99 : memref<1x1x40x125xi32, #tpu.memory_space<hbm>> -> memref<40x125xi32, #tpu.memory_space<hbm>>
      tpu.wait_dma2 semaphore(%run_scoped3A_84 : memref<!tpu.dma_semaphore, #tpu.memory_space<semaphore_mem>>) src(%dma_wait3A_100 : memref<40x125xi32, #tpu.memory_space<hbm>>) dst(%arg8 : memref<40x125xi32, #tpu.memory_space<vmem>>)
      tpu.yield
    }) : () -> ()
    %dma_start3A = arith.constant 0 : i32
    %dma_start3A_9 = arith.constant 0 : i32
    %dma_start3A_10 = tpu.memref_slice %arg7[%dma_start3A, %dma_start3A_9] : memref<40x125xi32, #tpu.memory_space<vmem>> -> memref<1x125xi32, #tpu.memory_space<vmem>>
    %dma_start3A_11 = tpu.memref_squeeze %dma_start3A_10 : memref<1x125xi32, #tpu.memory_space<vmem>> -> memref<125xi32, #tpu.memory_space<vmem>>
    %dma_start3A_12 = arith.constant 0 : i32
    %dma_start3A_13 = arith.constant 0 : i32
    %dma_start3A_14 = tpu.memref_slice %arg2[%dma_start3A_12, %dma_start3A_13] : memref<20480x128xf32, #tpu.memory_space<hbm>> -> memref<20480x128xf32, #tpu.memory_space<hbm>>
    tpu.enqueue_indirect_dma source(%dma_start3A_14 : memref<20480x128xf32, #tpu.memory_space<hbm>>) target(%arg9 : memref<125x128xf32, #tpu.memory_space<vmem>>) offsets(%dma_start3A_11 : memref<125xi32, #tpu.memory_space<vmem>>) semaphore(%arg11 : memref<!tpu.dma_semaphore, #tpu.memory_space<semaphore_mem>>)
    %dma_start3A_15 = arith.constant 1 : i32
    %dma_start3A_16 = arith.constant 0 : i32
    %dma_start3A_17 = tpu.memref_slice %arg7[%dma_start3A_15, %dma_start3A_16] : memref<40x125xi32, #tpu.memory_space<vmem>> -> memref<1x125xi32, #tpu.memory_space<vmem>>
    %dma_start3A_18 = tpu.memref_squeeze %dma_start3A_17 : memref<1x125xi32, #tpu.memory_space<vmem>> -> memref<125xi32, #tpu.memory_space<vmem>>
    %dma_start3A_19 = arith.constant 0 : i32
    %dma_start3A_20 = arith.constant 0 : i32
    %dma_start3A_21 = tpu.memref_slice %arg2[%dma_start3A_19, %dma_start3A_20] : memref<20480x128xf32, #tpu.memory_space<hbm>> -> memref<20480x128xf32, #tpu.memory_space<hbm>>
    tpu.enqueue_indirect_dma source(%dma_start3A_21 : memref<20480x128xf32, #tpu.memory_space<hbm>>) target(%arg10 : memref<125x128xf32, #tpu.memory_space<vmem>>) offsets(%dma_start3A_18 : memref<125xi32, #tpu.memory_space<vmem>>) semaphore(%arg12 : memref<!tpu.dma_semaphore, #tpu.memory_space<semaphore_mem>>)
    %scan3A_22 = arith.constant 0 : i32
    %scan3A_23 = arith.constant 0 : i32
    %scan3A_24 = arith.constant 20 : i32
    %scan3A_25 = arith.addi %scan3A_23, %scan3A_24 : i32
    %scan3A_26 = arith.constant 1 : i32
    scf.for %scan3A_84 = %scan3A_23 to %scan3A_25 step %scan3A_26  : i32 {
      %mul3A_85 = arith.constant 2 : i32
      %mul3A_86 = arith.muli %mul3A_85, %scan3A_84 : i32
      %add3A = arith.constant 1 : i32
      %add3A_87 = arith.addi %mul3A_86, %add3A : i32
      %add3A_88 = arith.constant 2 : i32
      %add3A_89 = arith.addi %mul3A_86, %add3A_88 : i32
      %min3A = arith.constant 39 : i32
      %min3A_90 = arith.minsi %add3A_89, %min3A : i32
      %add3A_91 = arith.constant 3 : i32
      %add3A_92 = arith.addi %mul3A_86, %add3A_91 : i32
      %min3A_93 = arith.constant 39 : i32
      %min3A_94 = arith.minsi %add3A_92, %min3A_93 : i32
      %dma_wait3A_95 = arith.constant 0 : i32
      %dma_wait3A_96 = tpu.memref_slice %arg7[%mul3A_86, %dma_wait3A_95] : memref<40x125xi32, #tpu.memory_space<vmem>> -> memref<1x125xi32, #tpu.memory_space<vmem>>
      %dma_wait3A_97 = tpu.memref_squeeze %dma_wait3A_96 : memref<1x125xi32, #tpu.memory_space<vmem>> -> memref<125xi32, #tpu.memory_space<vmem>>
      %dma_wait3A_98 = arith.constant 0 : i32
      %dma_wait3A_99 = arith.constant 0 : i32
      %dma_wait3A_100 = tpu.memref_slice %arg2[%dma_wait3A_98, %dma_wait3A_99] : memref<20480x128xf32, #tpu.memory_space<hbm>> -> memref<20480x128xf32, #tpu.memory_space<hbm>>
      tpu.wait_indirect_dma semaphore(%arg11 : memref<!tpu.dma_semaphore, #tpu.memory_space<semaphore_mem>>) src(%dma_wait3A_100 : memref<20480x128xf32, #tpu.memory_space<hbm>>) dst(%arg9 : memref<125x128xf32, #tpu.memory_space<vmem>>)
      "tpu.region"() ({
        %run_scoped3A_119 = tpu.sem_alloc : memref<!tpu.dma_semaphore, #tpu.memory_space<semaphore_mem>>
        %dma_start3A_120 = arith.constant 0 : i32
        %dma_start3A_121 = tpu.memref_slice %arg8[%mul3A_86, %dma_start3A_120] : memref<40x125xi32, #tpu.memory_space<vmem>> -> memref<1x125xi32, #tpu.memory_space<vmem>>
        %dma_start3A_122 = tpu.memref_squeeze %dma_start3A_121 : memref<1x125xi32, #tpu.memory_space<vmem>> -> memref<125xi32, #tpu.memory_space<vmem>>
        %dma_start3A_123 = arith.constant 0 : i32
        %dma_start3A_124 = arith.constant 0 : i32
        %dma_start3A_125 = tpu.memref_slice %arg6[%dma_start3A_123, %dma_start3A_124] : memref<10240x128xf32, #tpu.memory_space<vmem_shared>> -> memref<10240x128xf32, #tpu.memory_space<vmem_shared>>
        tpu.enqueue_indirect_dma source(%arg9 : memref<125x128xf32, #tpu.memory_space<vmem>>) target(%dma_start3A_125 : memref<10240x128xf32, #tpu.memory_space<vmem_shared>>) offsets(%dma_start3A_122 : memref<125xi32, #tpu.memory_space<vmem>>) semaphore(%run_scoped3A_119 : memref<!tpu.dma_semaphore, #tpu.memory_space<semaphore_mem>>) {add = true}
        %dma_wait3A_126 = arith.constant 0 : i32
        %dma_wait3A_127 = tpu.memref_slice %arg8[%mul3A_86, %dma_wait3A_126] : memref<40x125xi32, #tpu.memory_space<vmem>> -> memref<1x125xi32, #tpu.memory_space<vmem>>
        %dma_wait3A_128 = tpu.memref_squeeze %dma_wait3A_127 : memref<1x125xi32, #tpu.memory_space<vmem>> -> memref<125xi32, #tpu.memory_space<vmem>>
        %dma_wait3A_129 = arith.constant 0 : i32
        %dma_wait3A_130 = arith.constant 0 : i32
        %dma_wait3A_131 = tpu.memref_slice %arg6[%dma_wait3A_129, %dma_wait3A_130] : memref<10240x128xf32, #tpu.memory_space<vmem_shared>> -> memref<10240x128xf32, #tpu.memory_space<vmem_shared>>
        tpu.wait_indirect_dma semaphore(%run_scoped3A_119 : memref<!tpu.dma_semaphore, #tpu.memory_space<semaphore_mem>>) src(%arg9 : memref<125x128xf32, #tpu.memory_space<vmem>>) dst(%dma_wait3A_131 : memref<10240x128xf32, #tpu.memory_space<vmem_shared>>)
        tpu.yield
      }) : () -> ()
      %dma_start3A_101 = arith.constant 0 : i32
      %dma_start3A_102 = tpu.memref_slice %arg7[%min3A_90, %dma_start3A_101] : memref<40x125xi32, #tpu.memory_space<vmem>> -> memref<1x125xi32, #tpu.memory_space<vmem>>
      %dma_start3A_103 = tpu.memref_squeeze %dma_start3A_102 : memref<1x125xi32, #tpu.memory_space<vmem>> -> memref<125xi32, #tpu.memory_space<vmem>>
      %dma_start3A_104 = arith.constant 0 : i32
      %dma_start3A_105 = arith.constant 0 : i32
      %dma_start3A_106 = tpu.memref_slice %arg2[%dma_start3A_104, %dma_start3A_105] : memref<20480x128xf32, #tpu.memory_space<hbm>> -> memref<20480x128xf32, #tpu.memory_space<hbm>>
      tpu.enqueue_indirect_dma source(%dma_start3A_106 : memref<20480x128xf32, #tpu.memory_space<hbm>>) target(%arg9 : memref<125x128xf32, #tpu.memory_space<vmem>>) offsets(%dma_start3A_103 : memref<125xi32, #tpu.memory_space<vmem>>) semaphore(%arg11 : memref<!tpu.dma_semaphore, #tpu.memory_space<semaphore_mem>>)
      %dma_wait3A_107 = arith.constant 0 : i32
      %dma_wait3A_108 = tpu.memref_slice %arg7[%add3A_87, %dma_wait3A_107] : memref<40x125xi32, #tpu.memory_space<vmem>> -> memref<1x125xi32, #tpu.memory_space<vmem>>
      %dma_wait3A_109 = tpu.memref_squeeze %dma_wait3A_108 : memref<1x125xi32, #tpu.memory_space<vmem>> -> memref<125xi32, #tpu.memory_space<vmem>>
      %dma_wait3A_110 = arith.constant 0 : i32
      %dma_wait3A_111 = arith.constant 0 : i32
      %dma_wait3A_112 = tpu.memref_slice %arg2[%dma_wait3A_110, %dma_wait3A_111] : memref<20480x128xf32, #tpu.memory_space<hbm>> -> memref<20480x128xf32, #tpu.memory_space<hbm>>
      tpu.wait_indirect_dma semaphore(%arg12 : memref<!tpu.dma_semaphore, #tpu.memory_space<semaphore_mem>>) src(%dma_wait3A_112 : memref<20480x128xf32, #tpu.memory_space<hbm>>) dst(%arg10 : memref<125x128xf32, #tpu.memory_space<vmem>>)
      "tpu.region"() ({
        %run_scoped3A_119 = tpu.sem_alloc : memref<!tpu.dma_semaphore, #tpu.memory_space<semaphore_mem>>
        %dma_start3A_120 = arith.constant 0 : i32
        %dma_start3A_121 = tpu.memref_slice %arg8[%add3A_87, %dma_start3A_120] : memref<40x125xi32, #tpu.memory_space<vmem>> -> memref<1x125xi32, #tpu.memory_space<vmem>>
        %dma_start3A_122 = tpu.memref_squeeze %dma_start3A_121 : memref<1x125xi32, #tpu.memory_space<vmem>> -> memref<125xi32, #tpu.memory_space<vmem>>
        %dma_start3A_123 = arith.constant 0 : i32
        %dma_start3A_124 = arith.constant 0 : i32
        %dma_start3A_125 = tpu.memref_slice %arg6[%dma_start3A_123, %dma_start3A_124] : memref<10240x128xf32, #tpu.memory_space<vmem_shared>> -> memref<10240x128xf32, #tpu.memory_space<vmem_shared>>
        tpu.enqueue_indirect_dma source(%arg10 : memref<125x128xf32, #tpu.memory_space<vmem>>) target(%dma_start3A_125 : memref<10240x128xf32, #tpu.memory_space<vmem_shared>>) offsets(%dma_start3A_122 : memref<125xi32, #tpu.memory_space<vmem>>) semaphore(%run_scoped3A_119 : memref<!tpu.dma_semaphore, #tpu.memory_space<semaphore_mem>>) {add = true}
        %dma_wait3A_126 = arith.constant 0 : i32
        %dma_wait3A_127 = tpu.memref_slice %arg8[%add3A_87, %dma_wait3A_126] : memref<40x125xi32, #tpu.memory_space<vmem>> -> memref<1x125xi32, #tpu.memory_space<vmem>>
        %dma_wait3A_128 = tpu.memref_squeeze %dma_wait3A_127 : memref<1x125xi32, #tpu.memory_space<vmem>> -> memref<125xi32, #tpu.memory_space<vmem>>
        %dma_wait3A_129 = arith.constant 0 : i32
        %dma_wait3A_130 = arith.constant 0 : i32
        %dma_wait3A_131 = tpu.memref_slice %arg6[%dma_wait3A_129, %dma_wait3A_130] : memref<10240x128xf32, #tpu.memory_space<vmem_shared>> -> memref<10240x128xf32, #tpu.memory_space<vmem_shared>>
        tpu.wait_indirect_dma semaphore(%run_scoped3A_119 : memref<!tpu.dma_semaphore, #tpu.memory_space<semaphore_mem>>) src(%arg10 : memref<125x128xf32, #tpu.memory_space<vmem>>) dst(%dma_wait3A_131 : memref<10240x128xf32, #tpu.memory_space<vmem_shared>>)
        tpu.yield
      }) : () -> ()
      %dma_start3A_113 = arith.constant 0 : i32
      %dma_start3A_114 = tpu.memref_slice %arg7[%min3A_94, %dma_start3A_113] : memref<40x125xi32, #tpu.memory_space<vmem>> -> memref<1x125xi32, #tpu.memory_space<vmem>>
      %dma_start3A_115 = tpu.memref_squeeze %dma_start3A_114 : memref<1x125xi32, #tpu.memory_space<vmem>> -> memref<125xi32, #tpu.memory_space<vmem>>
      %dma_start3A_116 = arith.constant 0 : i32
      %dma_start3A_117 = arith.constant 0 : i32
      %dma_start3A_118 = tpu.memref_slice %arg2[%dma_start3A_116, %dma_start3A_117] : memref<20480x128xf32, #tpu.memory_space<hbm>> -> memref<20480x128xf32, #tpu.memory_space<hbm>>
      tpu.enqueue_indirect_dma source(%dma_start3A_118 : memref<20480x128xf32, #tpu.memory_space<hbm>>) target(%arg10 : memref<125x128xf32, #tpu.memory_space<vmem>>) offsets(%dma_start3A_115 : memref<125xi32, #tpu.memory_space<vmem>>) semaphore(%arg12 : memref<!tpu.dma_semaphore, #tpu.memory_space<semaphore_mem>>)
    }
    %scan3A_27 = arith.constant 20 : i32
    %dma_wait3A = arith.constant 39 : i32
    %dma_wait3A_28 = arith.constant 0 : i32
    %dma_wait3A_29 = tpu.memref_slice %arg7[%dma_wait3A, %dma_wait3A_28] : memref<40x125xi32, #tpu.memory_space<vmem>> -> memref<1x125xi32, #tpu.memory_space<vmem>>
    %dma_wait3A_30 = tpu.memref_squeeze %dma_wait3A_29 : memref<1x125xi32, #tpu.memory_space<vmem>> -> memref<125xi32, #tpu.memory_space<vmem>>
    %dma_wait3A_31 = arith.constant 0 : i32
    %dma_wait3A_32 = arith.constant 0 : i32
    %dma_wait3A_33 = tpu.memref_slice %arg2[%dma_wait3A_31, %dma_wait3A_32] : memref<20480x128xf32, #tpu.memory_space<hbm>> -> memref<20480x128xf32, #tpu.memory_space<hbm>>
    tpu.wait_indirect_dma semaphore(%arg11 : memref<!tpu.dma_semaphore, #tpu.memory_space<semaphore_mem>>) src(%dma_wait3A_33 : memref<20480x128xf32, #tpu.memory_space<hbm>>) dst(%arg9 : memref<125x128xf32, #tpu.memory_space<vmem>>)
    %dma_wait3A_34 = arith.constant 39 : i32
    %dma_wait3A_35 = arith.constant 0 : i32
    %dma_wait3A_36 = tpu.memref_slice %arg7[%dma_wait3A_34, %dma_wait3A_35] : memref<40x125xi32, #tpu.memory_space<vmem>> -> memref<1x125xi32, #tpu.memory_space<vmem>>
    %dma_wait3A_37 = tpu.memref_squeeze %dma_wait3A_36 : memref<1x125xi32, #tpu.memory_space<vmem>> -> memref<125xi32, #tpu.memory_space<vmem>>
    %dma_wait3A_38 = arith.constant 0 : i32
    %dma_wait3A_39 = arith.constant 0 : i32
    %dma_wait3A_40 = tpu.memref_slice %arg2[%dma_wait3A_38, %dma_wait3A_39] : memref<20480x128xf32, #tpu.memory_space<hbm>> -> memref<20480x128xf32, #tpu.memory_space<hbm>>
    tpu.wait_indirect_dma semaphore(%arg12 : memref<!tpu.dma_semaphore, #tpu.memory_space<semaphore_mem>>) src(%dma_wait3A_40 : memref<20480x128xf32, #tpu.memory_space<hbm>>) dst(%arg10 : memref<125x128xf32, #tpu.memory_space<vmem>>)
    %run_scoped3A_41 = arith.constant 1 : i32
    "tpu.region"() ({
      %run_scoped3A_84 = tpu.sem_alloc : memref<!tpu.dma_semaphore, #tpu.memory_space<semaphore_mem>>
      %dma_start3A_85 = arith.constant 0 : i32
      %dma_start3A_86 = arith.constant 0 : i32
      %dma_start3A_87 = tpu.memref_slice %arg3[%arg0, %arg1, %run_scoped3A_41, %dma_start3A_85, %dma_start3A_86] : memref<2x16x2x40x125xi32, #tpu.memory_space<hbm>> -> memref<1x1x1x40x125xi32, #tpu.memory_space<hbm>>
      %dma_start3A_88 = tpu.memref_squeeze %dma_start3A_87 : memref<1x1x1x40x125xi32, #tpu.memory_space<hbm>> -> memref<40x125xi32, #tpu.memory_space<hbm>>
      %dma_start3A_89 = arith.constant 0 : i32
      %dma_start3A_90 = arith.constant 0 : i32
      %dma_start3A_91 = tpu.memref_slice %arg3[%arg0, %arg1, %run_scoped3A_41, %dma_start3A_89, %dma_start3A_90] : memref<2x16x2x40x125xi32, #tpu.memory_space<hbm>> -> memref<1x1x1x40x125xi32, #tpu.memory_space<hbm>>
      %dma_start3A_92 = tpu.memref_squeeze %dma_start3A_91 : memref<1x1x1x40x125xi32, #tpu.memory_space<hbm>> -> memref<40x125xi32, #tpu.memory_space<hbm>>
      tpu.enqueue_dma source(%dma_start3A_92 : memref<40x125xi32, #tpu.memory_space<hbm>>) target(%arg7 : memref<40x125xi32, #tpu.memory_space<vmem>>) target_semaphore(%run_scoped3A_84 : memref<!tpu.dma_semaphore, #tpu.memory_space<semaphore_mem>>)
      %dma_wait3A_93 = arith.constant 0 : i32
      %dma_wait3A_94 = arith.constant 0 : i32
      %dma_wait3A_95 = tpu.memref_slice %arg3[%arg0, %arg1, %run_scoped3A_41, %dma_wait3A_93, %dma_wait3A_94] : memref<2x16x2x40x125xi32, #tpu.memory_space<hbm>> -> memref<1x1x1x40x125xi32, #tpu.memory_space<hbm>>
      %dma_wait3A_96 = tpu.memref_squeeze %dma_wait3A_95 : memref<1x1x1x40x125xi32, #tpu.memory_space<hbm>> -> memref<40x125xi32, #tpu.memory_space<hbm>>
      %dma_wait3A_97 = arith.constant 0 : i32
      %dma_wait3A_98 = arith.constant 0 : i32
      %dma_wait3A_99 = tpu.memref_slice %arg3[%arg0, %arg1, %run_scoped3A_41, %dma_wait3A_97, %dma_wait3A_98] : memref<2x16x2x40x125xi32, #tpu.memory_space<hbm>> -> memref<1x1x1x40x125xi32, #tpu.memory_space<hbm>>
      %dma_wait3A_100 = tpu.memref_squeeze %dma_wait3A_99 : memref<1x1x1x40x125xi32, #tpu.memory_space<hbm>> -> memref<40x125xi32, #tpu.memory_space<hbm>>
      tpu.wait_dma2 semaphore(%run_scoped3A_84 : memref<!tpu.dma_semaphore, #tpu.memory_space<semaphore_mem>>) src(%dma_wait3A_100 : memref<40x125xi32, #tpu.memory_space<hbm>>) dst(%arg7 : memref<40x125xi32, #tpu.memory_space<vmem>>)
      tpu.yield
    }) : () -> ()
    %run_scoped3A_42 = arith.constant 1 : i32
    "tpu.region"() ({
      %run_scoped3A_84 = tpu.sem_alloc : memref<!tpu.dma_semaphore, #tpu.memory_space<semaphore_mem>>
      %dma_start3A_85 = arith.constant 0 : i32
      %dma_start3A_86 = arith.constant 0 : i32
      %dma_start3A_87 = tpu.memref_slice %arg4[%arg1, %run_scoped3A_42, %dma_start3A_85, %dma_start3A_86] : memref<16x2x40x125xi32, #tpu.memory_space<hbm>> -> memref<1x1x40x125xi32, #tpu.memory_space<hbm>>
      %dma_start3A_88 = tpu.memref_squeeze %dma_start3A_87 : memref<1x1x40x125xi32, #tpu.memory_space<hbm>> -> memref<40x125xi32, #tpu.memory_space<hbm>>
      %dma_start3A_89 = arith.constant 0 : i32
      %dma_start3A_90 = arith.constant 0 : i32
      %dma_start3A_91 = tpu.memref_slice %arg4[%arg1, %run_scoped3A_42, %dma_start3A_89, %dma_start3A_90] : memref<16x2x40x125xi32, #tpu.memory_space<hbm>> -> memref<1x1x40x125xi32, #tpu.memory_space<hbm>>
      %dma_start3A_92 = tpu.memref_squeeze %dma_start3A_91 : memref<1x1x40x125xi32, #tpu.memory_space<hbm>> -> memref<40x125xi32, #tpu.memory_space<hbm>>
      tpu.enqueue_dma source(%dma_start3A_92 : memref<40x125xi32, #tpu.memory_space<hbm>>) target(%arg8 : memref<40x125xi32, #tpu.memory_space<vmem>>) target_semaphore(%run_scoped3A_84 : memref<!tpu.dma_semaphore, #tpu.memory_space<semaphore_mem>>)
      %dma_wait3A_93 = arith.constant 0 : i32
      %dma_wait3A_94 = arith.constant 0 : i32
      %dma_wait3A_95 = tpu.memref_slice %arg4[%arg1, %run_scoped3A_42, %dma_wait3A_93, %dma_wait3A_94] : memref<16x2x40x125xi32, #tpu.memory_space<hbm>> -> memref<1x1x40x125xi32, #tpu.memory_space<hbm>>
      %dma_wait3A_96 = tpu.memref_squeeze %dma_wait3A_95 : memref<1x1x40x125xi32, #tpu.memory_space<hbm>> -> memref<40x125xi32, #tpu.memory_space<hbm>>
      %dma_wait3A_97 = arith.constant 0 : i32
      %dma_wait3A_98 = arith.constant 0 : i32
      %dma_wait3A_99 = tpu.memref_slice %arg4[%arg1, %run_scoped3A_42, %dma_wait3A_97, %dma_wait3A_98] : memref<16x2x40x125xi32, #tpu.memory_space<hbm>> -> memref<1x1x40x125xi32, #tpu.memory_space<hbm>>
      %dma_wait3A_100 = tpu.memref_squeeze %dma_wait3A_99 : memref<1x1x40x125xi32, #tpu.memory_space<hbm>> -> memref<40x125xi32, #tpu.memory_space<hbm>>
      tpu.wait_dma2 semaphore(%run_scoped3A_84 : memref<!tpu.dma_semaphore, #tpu.memory_space<semaphore_mem>>) src(%dma_wait3A_100 : memref<40x125xi32, #tpu.memory_space<hbm>>) dst(%arg8 : memref<40x125xi32, #tpu.memory_space<vmem>>)
      tpu.yield
    }) : () -> ()
    %dma_start3A_43 = arith.constant 0 : i32
    %dma_start3A_44 = arith.constant 0 : i32
    %dma_start3A_45 = tpu.memref_slice %arg7[%dma_start3A_43, %dma_start3A_44] : memref<40x125xi32, #tpu.memory_space<vmem>> -> memref<1x125xi32, #tpu.memory_space<vmem>>
    %dma_start3A_46 = tpu.memref_squeeze %dma_start3A_45 : memref<1x125xi32, #tpu.memory_space<vmem>> -> memref<125xi32, #tpu.memory_space<vmem>>
    %dma_start3A_47 = arith.constant 0 : i32
    %dma_start3A_48 = arith.constant 0 : i32
    %dma_start3A_49 = tpu.memref_slice %arg2[%dma_start3A_47, %dma_start3A_48] : memref<20480x128xf32, #tpu.memory_space<hbm>> -> memref<20480x128xf32, #tpu.memory_space<hbm>>
    tpu.enqueue_indirect_dma source(%dma_start3A_49 : memref<20480x128xf32, #tpu.memory_space<hbm>>) target(%arg9 : memref<125x128xf32, #tpu.memory_space<vmem>>) offsets(%dma_start3A_46 : memref<125xi32, #tpu.memory_space<vmem>>) semaphore(%arg11 : memref<!tpu.dma_semaphore, #tpu.memory_space<semaphore_mem>>)
    %dma_start3A_50 = arith.constant 1 : i32
    %dma_start3A_51 = arith.constant 0 : i32
    %dma_start3A_52 = tpu.memref_slice %arg7[%dma_start3A_50, %dma_start3A_51] : memref<40x125xi32, #tpu.memory_space<vmem>> -> memref<1x125xi32, #tpu.memory_space<vmem>>
    %dma_start3A_53 = tpu.memref_squeeze %dma_start3A_52 : memref<1x125xi32, #tpu.memory_space<vmem>> -> memref<125xi32, #tpu.memory_space<vmem>>
    %dma_start3A_54 = arith.constant 0 : i32
    %dma_start3A_55 = arith.constant 0 : i32
    %dma_start3A_56 = tpu.memref_slice %arg2[%dma_start3A_54, %dma_start3A_55] : memref<20480x128xf32, #tpu.memory_space<hbm>> -> memref<20480x128xf32, #tpu.memory_space<hbm>>
    tpu.enqueue_indirect_dma source(%dma_start3A_56 : memref<20480x128xf32, #tpu.memory_space<hbm>>) target(%arg10 : memref<125x128xf32, #tpu.memory_space<vmem>>) offsets(%dma_start3A_53 : memref<125xi32, #tpu.memory_space<vmem>>) semaphore(%arg12 : memref<!tpu.dma_semaphore, #tpu.memory_space<semaphore_mem>>)
    %scan3A_57 = arith.constant 0 : i32
    %scan3A_58 = arith.constant 0 : i32
    %scan3A_59 = arith.constant 20 : i32
    %scan3A_60 = arith.addi %scan3A_58, %scan3A_59 : i32
    %scan3A_61 = arith.constant 1 : i32
    scf.for %scan3A_84 = %scan3A_58 to %scan3A_60 step %scan3A_61  : i32 {
      %mul3A_85 = arith.constant 2 : i32
      %mul3A_86 = arith.muli %mul3A_85, %scan3A_84 : i32
      %add3A = arith.constant 1 : i32
      %add3A_87 = arith.addi %mul3A_86, %add3A : i32
      %add3A_88 = arith.constant 2 : i32
      %add3A_89 = arith.addi %mul3A_86, %add3A_88 : i32
      %min3A = arith.constant 39 : i32
      %min3A_90 = arith.minsi %add3A_89, %min3A : i32
      %add3A_91 = arith.constant 3 : i32
      %add3A_92 = arith.addi %mul3A_86, %add3A_91 : i32
      %min3A_93 = arith.constant 39 : i32
      %min3A_94 = arith.minsi %add3A_92, %min3A_93 : i32
      %dma_wait3A_95 = arith.constant 0 : i32
      %dma_wait3A_96 = tpu.memref_slice %arg7[%mul3A_86, %dma_wait3A_95] : memref<40x125xi32, #tpu.memory_space<vmem>> -> memref<1x125xi32, #tpu.memory_space<vmem>>
      %dma_wait3A_97 = tpu.memref_squeeze %dma_wait3A_96 : memref<1x125xi32, #tpu.memory_space<vmem>> -> memref<125xi32, #tpu.memory_space<vmem>>
      %dma_wait3A_98 = arith.constant 0 : i32
      %dma_wait3A_99 = arith.constant 0 : i32
      %dma_wait3A_100 = tpu.memref_slice %arg2[%dma_wait3A_98, %dma_wait3A_99] : memref<20480x128xf32, #tpu.memory_space<hbm>> -> memref<20480x128xf32, #tpu.memory_space<hbm>>
      tpu.wait_indirect_dma semaphore(%arg11 : memref<!tpu.dma_semaphore, #tpu.memory_space<semaphore_mem>>) src(%dma_wait3A_100 : memref<20480x128xf32, #tpu.memory_space<hbm>>) dst(%arg9 : memref<125x128xf32, #tpu.memory_space<vmem>>)
      "tpu.region"() ({
        %run_scoped3A_119 = tpu.sem_alloc : memref<!tpu.dma_semaphore, #tpu.memory_space<semaphore_mem>>
        %dma_start3A_120 = arith.constant 0 : i32
        %dma_start3A_121 = tpu.memref_slice %arg8[%mul3A_86, %dma_start3A_120] : memref<40x125xi32, #tpu.memory_space<vmem>> -> memref<1x125xi32, #tpu.memory_space<vmem>>
        %dma_start3A_122 = tpu.memref_squeeze %dma_start3A_121 : memref<1x125xi32, #tpu.memory_space<vmem>> -> memref<125xi32, #tpu.memory_space<vmem>>
        %dma_start3A_123 = arith.constant 0 : i32
        %dma_start3A_124 = arith.constant 0 : i32
        %dma_start3A_125 = tpu.memref_slice %arg6[%dma_start3A_123, %dma_start3A_124] : memref<10240x128xf32, #tpu.memory_space<vmem_shared>> -> memref<10240x128xf32, #tpu.memory_space<vmem_shared>>
        tpu.enqueue_indirect_dma source(%arg9 : memref<125x128xf32, #tpu.memory_space<vmem>>) target(%dma_start3A_125 : memref<10240x128xf32, #tpu.memory_space<vmem_shared>>) offsets(%dma_start3A_122 : memref<125xi32, #tpu.memory_space<vmem>>) semaphore(%run_scoped3A_119 : memref<!tpu.dma_semaphore, #tpu.memory_space<semaphore_mem>>) {add = true}
        %dma_wait3A_126 = arith.constant 0 : i32
        %dma_wait3A_127 = tpu.memref_slice %arg8[%mul3A_86, %dma_wait3A_126] : memref<40x125xi32, #tpu.memory_space<vmem>> -> memref<1x125xi32, #tpu.memory_space<vmem>>
        %dma_wait3A_128 = tpu.memref_squeeze %dma_wait3A_127 : memref<1x125xi32, #tpu.memory_space<vmem>> -> memref<125xi32, #tpu.memory_space<vmem>>
        %dma_wait3A_129 = arith.constant 0 : i32
        %dma_wait3A_130 = arith.constant 0 : i32
        %dma_wait3A_131 = tpu.memref_slice %arg6[%dma_wait3A_129, %dma_wait3A_130] : memref<10240x128xf32, #tpu.memory_space<vmem_shared>> -> memref<10240x128xf32, #tpu.memory_space<vmem_shared>>
        tpu.wait_indirect_dma semaphore(%run_scoped3A_119 : memref<!tpu.dma_semaphore, #tpu.memory_space<semaphore_mem>>) src(%arg9 : memref<125x128xf32, #tpu.memory_space<vmem>>) dst(%dma_wait3A_131 : memref<10240x128xf32, #tpu.memory_space<vmem_shared>>)
        tpu.yield
      }) : () -> ()
      %dma_start3A_101 = arith.constant 0 : i32
      %dma_start3A_102 = tpu.memref_slice %arg7[%min3A_90, %dma_start3A_101] : memref<40x125xi32, #tpu.memory_space<vmem>> -> memref<1x125xi32, #tpu.memory_space<vmem>>
      %dma_start3A_103 = tpu.memref_squeeze %dma_start3A_102 : memref<1x125xi32, #tpu.memory_space<vmem>> -> memref<125xi32, #tpu.memory_space<vmem>>
      %dma_start3A_104 = arith.constant 0 : i32
      %dma_start3A_105 = arith.constant 0 : i32
      %dma_start3A_106 = tpu.memref_slice %arg2[%dma_start3A_104, %dma_start3A_105] : memref<20480x128xf32, #tpu.memory_space<hbm>> -> memref<20480x128xf32, #tpu.memory_space<hbm>>
      tpu.enqueue_indirect_dma source(%dma_start3A_106 : memref<20480x128xf32, #tpu.memory_space<hbm>>) target(%arg9 : memref<125x128xf32, #tpu.memory_space<vmem>>) offsets(%dma_start3A_103 : memref<125xi32, #tpu.memory_space<vmem>>) semaphore(%arg11 : memref<!tpu.dma_semaphore, #tpu.memory_space<semaphore_mem>>)
      %dma_wait3A_107 = arith.constant 0 : i32
      %dma_wait3A_108 = tpu.memref_slice %arg7[%add3A_87, %dma_wait3A_107] : memref<40x125xi32, #tpu.memory_space<vmem>> -> memref<1x125xi32, #tpu.memory_space<vmem>>
      %dma_wait3A_109 = tpu.memref_squeeze %dma_wait3A_108 : memref<1x125xi32, #tpu.memory_space<vmem>> -> memref<125xi32, #tpu.memory_space<vmem>>
      %dma_wait3A_110 = arith.constant 0 : i32
      %dma_wait3A_111 = arith.constant 0 : i32
      %dma_wait3A_112 = tpu.memref_slice %arg2[%dma_wait3A_110, %dma_wait3A_111] : memref<20480x128xf32, #tpu.memory_space<hbm>> -> memref<20480x128xf32, #tpu.memory_space<hbm>>
      tpu.wait_indirect_dma semaphore(%arg12 : memref<!tpu.dma_semaphore, #tpu.memory_space<semaphore_mem>>) src(%dma_wait3A_112 : memref<20480x128xf32, #tpu.memory_space<hbm>>) dst(%arg10 : memref<125x128xf32, #tpu.memory_space<vmem>>)
      "tpu.region"() ({
        %run_scoped3A_119 = tpu.sem_alloc : memref<!tpu.dma_semaphore, #tpu.memory_space<semaphore_mem>>
        %dma_start3A_120 = arith.constant 0 : i32
        %dma_start3A_121 = tpu.memref_slice %arg8[%add3A_87, %dma_start3A_120] : memref<40x125xi32, #tpu.memory_space<vmem>> -> memref<1x125xi32, #tpu.memory_space<vmem>>
        %dma_start3A_122 = tpu.memref_squeeze %dma_start3A_121 : memref<1x125xi32, #tpu.memory_space<vmem>> -> memref<125xi32, #tpu.memory_space<vmem>>
        %dma_start3A_123 = arith.constant 0 : i32
        %dma_start3A_124 = arith.constant 0 : i32
        %dma_start3A_125 = tpu.memref_slice %arg6[%dma_start3A_123, %dma_start3A_124] : memref<10240x128xf32, #tpu.memory_space<vmem_shared>> -> memref<10240x128xf32, #tpu.memory_space<vmem_shared>>
        tpu.enqueue_indirect_dma source(%arg10 : memref<125x128xf32, #tpu.memory_space<vmem>>) target(%dma_start3A_125 : memref<10240x128xf32, #tpu.memory_space<vmem_shared>>) offsets(%dma_start3A_122 : memref<125xi32, #tpu.memory_space<vmem>>) semaphore(%run_scoped3A_119 : memref<!tpu.dma_semaphore, #tpu.memory_space<semaphore_mem>>) {add = true}
        %dma_wait3A_126 = arith.constant 0 : i32
        %dma_wait3A_127 = tpu.memref_slice %arg8[%add3A_87, %dma_wait3A_126] : memref<40x125xi32, #tpu.memory_space<vmem>> -> memref<1x125xi32, #tpu.memory_space<vmem>>
        %dma_wait3A_128 = tpu.memref_squeeze %dma_wait3A_127 : memref<1x125xi32, #tpu.memory_space<vmem>> -> memref<125xi32, #tpu.memory_space<vmem>>
        %dma_wait3A_129 = arith.constant 0 : i32
        %dma_wait3A_130 = arith.constant 0 : i32
        %dma_wait3A_131 = tpu.memref_slice %arg6[%dma_wait3A_129, %dma_wait3A_130] : memref<10240x128xf32, #tpu.memory_space<vmem_shared>> -> memref<10240x128xf32, #tpu.memory_space<vmem_shared>>
        tpu.wait_indirect_dma semaphore(%run_scoped3A_119 : memref<!tpu.dma_semaphore, #tpu.memory_space<semaphore_mem>>) src(%arg10 : memref<125x128xf32, #tpu.memory_space<vmem>>) dst(%dma_wait3A_131 : memref<10240x128xf32, #tpu.memory_space<vmem_shared>>)
        tpu.yield
      }) : () -> ()
      %dma_start3A_113 = arith.constant 0 : i32
      %dma_start3A_114 = tpu.memref_slice %arg7[%min3A_94, %dma_start3A_113] : memref<40x125xi32, #tpu.memory_space<vmem>> -> memref<1x125xi32, #tpu.memory_space<vmem>>
      %dma_start3A_115 = tpu.memref_squeeze %dma_start3A_114 : memref<1x125xi32, #tpu.memory_space<vmem>> -> memref<125xi32, #tpu.memory_space<vmem>>
      %dma_start3A_116 = arith.constant 0 : i32
      %dma_start3A_117 = arith.constant 0 : i32
      %dma_start3A_118 = tpu.memref_slice %arg2[%dma_start3A_116, %dma_start3A_117] : memref<20480x128xf32, #tpu.memory_space<hbm>> -> memref<20480x128xf32, #tpu.memory_space<hbm>>
      tpu.enqueue_indirect_dma source(%dma_start3A_118 : memref<20480x128xf32, #tpu.memory_space<hbm>>) target(%arg10 : memref<125x128xf32, #tpu.memory_space<vmem>>) offsets(%dma_start3A_115 : memref<125xi32, #tpu.memory_space<vmem>>) semaphore(%arg12 : memref<!tpu.dma_semaphore, #tpu.memory_space<semaphore_mem>>)
    }
    %scan3A_62 = arith.constant 20 : i32
    %dma_wait3A_63 = arith.constant 39 : i32
    %dma_wait3A_64 = arith.constant 0 : i32
    %dma_wait3A_65 = tpu.memref_slice %arg7[%dma_wait3A_63, %dma_wait3A_64] : memref<40x125xi32, #tpu.memory_space<vmem>> -> memref<1x125xi32, #tpu.memory_space<vmem>>
    %dma_wait3A_66 = tpu.memref_squeeze %dma_wait3A_65 : memref<1x125xi32, #tpu.memory_space<vmem>> -> memref<125xi32, #tpu.memory_space<vmem>>
    %dma_wait3A_67 = arith.constant 0 : i32
    %dma_wait3A_68 = arith.constant 0 : i32
    %dma_wait3A_69 = tpu.memref_slice %arg2[%dma_wait3A_67, %dma_wait3A_68] : memref<20480x128xf32, #tpu.memory_space<hbm>> -> memref<20480x128xf32, #tpu.memory_space<hbm>>
    tpu.wait_indirect_dma semaphore(%arg11 : memref<!tpu.dma_semaphore, #tpu.memory_space<semaphore_mem>>) src(%dma_wait3A_69 : memref<20480x128xf32, #tpu.memory_space<hbm>>) dst(%arg9 : memref<125x128xf32, #tpu.memory_space<vmem>>)
    %dma_wait3A_70 = arith.constant 39 : i32
    %dma_wait3A_71 = arith.constant 0 : i32
    %dma_wait3A_72 = tpu.memref_slice %arg7[%dma_wait3A_70, %dma_wait3A_71] : memref<40x125xi32, #tpu.memory_space<vmem>> -> memref<1x125xi32, #tpu.memory_space<vmem>>
    %dma_wait3A_73 = tpu.memref_squeeze %dma_wait3A_72 : memref<1x125xi32, #tpu.memory_space<vmem>> -> memref<125xi32, #tpu.memory_space<vmem>>
    %dma_wait3A_74 = arith.constant 0 : i32
    %dma_wait3A_75 = arith.constant 0 : i32
    %dma_wait3A_76 = tpu.memref_slice %arg2[%dma_wait3A_74, %dma_wait3A_75] : memref<20480x128xf32, #tpu.memory_space<hbm>> -> memref<20480x128xf32, #tpu.memory_space<hbm>>
    tpu.wait_indirect_dma semaphore(%arg12 : memref<!tpu.dma_semaphore, #tpu.memory_space<semaphore_mem>>) src(%dma_wait3A_76 : memref<20480x128xf32, #tpu.memory_space<hbm>>) dst(%arg10 : memref<125x128xf32, #tpu.memory_space<vmem>>)
    %barrier3A_77 = arith.constant 0 : index
    tpu.barrier barrier_id(%barrier3A_77)
    %scan3A_78 = arith.constant 0 : i32
    %scan3A_79 = arith.constant 0 : i32
    %scan3A_80 = arith.constant 5 : i32
    %scan3A_81 = arith.addi %scan3A_79, %scan3A_80 : i32
    %scan3A_82 = arith.constant 1 : i32
    scf.for %scan3A_84 = %scan3A_79 to %scan3A_81 step %scan3A_82  : i32 {
      %mul3A_85 = arith.constant 128 : i32
      %mul3A_86 = arith.muli %scan3A_84, %mul3A_85 : i32
      %add3A = arith.addi %mul3A_0, %mul3A_86 : i32
      %add3A_87 = arith.addi %mul3A_2, %mul3A_0 : i32
      %mul3A_88 = arith.constant 128 : i32
      %mul3A_89 = arith.muli %scan3A_84, %mul3A_88 : i32
      %add3A_90 = arith.addi %add3A_87, %mul3A_89 : i32
      "tpu.region"() ({
        %run_scoped3A_91 = tpu.sem_alloc : memref<!tpu.dma_semaphore, #tpu.memory_space<semaphore_mem>>
        %dma_start3A_92 = arith.constant 0 : i32
        %dma_start3A_93 = tpu.memref_slice %arg5[%add3A_90, %dma_start3A_92] : memref<20480x128xf32, #tpu.memory_space<hbm>> -> memref<128x128xf32, #tpu.memory_space<hbm>>
        %dma_start3A_94 = arith.constant 0 : i32
        %dma_start3A_95 = tpu.memref_slice %arg6[%add3A, %dma_start3A_94] : memref<10240x128xf32, #tpu.memory_space<vmem_shared>> -> memref<128x128xf32, #tpu.memory_space<vmem_shared>>
        tpu.enqueue_dma source(%dma_start3A_95 : memref<128x128xf32, #tpu.memory_space<vmem_shared>>) target(%dma_start3A_93 : memref<128x128xf32, #tpu.memory_space<hbm>>) target_semaphore(%run_scoped3A_91 : memref<!tpu.dma_semaphore, #tpu.memory_space<semaphore_mem>>)
        %dma_wait3A_96 = arith.constant 0 : i32
        %dma_wait3A_97 = tpu.memref_slice %arg5[%add3A_90, %dma_wait3A_96] : memref<20480x128xf32, #tpu.memory_space<hbm>> -> memref<128x128xf32, #tpu.memory_space<hbm>>
        %dma_wait3A_98 = arith.constant 0 : i32
        %dma_wait3A_99 = tpu.memref_slice %arg6[%add3A, %dma_wait3A_98] : memref<10240x128xf32, #tpu.memory_space<vmem_shared>> -> memref<128x128xf32, #tpu.memory_space<vmem_shared>>
        tpu.wait_dma2 semaphore(%run_scoped3A_91 : memref<!tpu.dma_semaphore, #tpu.memory_space<semaphore_mem>>) src(%dma_wait3A_99 : memref<128x128xf32, #tpu.memory_space<vmem_shared>>) dst(%dma_wait3A_97 : memref<128x128xf32, #tpu.memory_space<hbm>>)
        tpu.yield
      }) : () -> ()
    }
    %scan3A_83 = arith.constant 5 : i32
    return
  }
}

#map = affine_map<(d0, d1) -> (0, 0)>
#map1 = affine_map<(d0, d1) -> (0, 0, 0, 0, 0)>
#map2 = affine_map<(d0, d1) -> (0, 0, 0, 0)>
module attributes {stable_mosaic.version = 14 : i64} {
  func.func @_spmm_body(%arg0: i32, %arg1: i32, %arg2: memref<20480x128xf32, #tpu.memory_space<hbm>>, %arg3: memref<2x16x2x40x125xi32, #tpu.memory_space<hbm>>, %arg4: memref<16x2x40x125xi32, #tpu.memory_space<hbm>>, %arg5: memref<20480x128xf32, #tpu.memory_space<hbm>>, %arg6: memref<10240x128xf32, #tpu.memory_space<vmem_shared>>, %arg7: memref<40x125xi32, #tpu.memory_space<vmem>>, %arg8: memref<40x125xi32, #tpu.memory_space<vmem>>, %arg9: memref<125x128xf32, #tpu.memory_space<vmem>>, %arg10: memref<125x128xf32, #tpu.memory_space<vmem>>, %arg11: memref<!tpu.dma_semaphore, #tpu.memory_space<semaphore_mem>>, %arg12: memref<!tpu.dma_semaphore, #tpu.memory_space<semaphore_mem>>) attributes {dimension_semantics = [#tpu.dimension_semantics<core_parallel>, #tpu.dimension_semantics<subcore_parallel>], iteration_bounds = array<i64: 2, 16>, scalar_prefetch = 0 : i64, scratch_operands = 7 : i64, tpu.core_type = #tpu.core_type<sc_vector_subcore>, window_params = [{transform_indices = #map}, {transform_indices = #map1}, {transform_indices = #map2}, {transform_indices = #map}]} {
    %mul3A = arith.constant 640 : i32
    %mul3A_0 = arith.muli %arg1, %mul3A : i32
    %mul3A_1 = arith.constant 10240 : i32
    %mul3A_2 = arith.muli %arg0, %mul3A_1 : i32
    %scan3A = arith.constant 0 : i32
    %scan3A_3 = arith.constant 0 : i32
    %scan3A_4 = arith.constant 5 : i32
    %scan3A_5 = arith.addi %scan3A_3, %scan3A_4 : i32
    %scan3A_6 = arith.constant 1 : i32
    scf.for %scan3A_84 = %scan3A_3 to %scan3A_5 step %scan3A_6  : i32 {
      %add3A = arith.addi %mul3A_2, %mul3A_0 : i32
      %mul3A_85 = arith.constant 128 : i32
      %mul3A_86 = arith.muli %scan3A_84, %mul3A_85 : i32
      %add3A_87 = arith.addi %add3A, %mul3A_86 : i32
      %mul3A_88 = arith.constant 128 : i32
      %mul3A_89 = arith.muli %scan3A_84, %mul3A_88 : i32
      %add3A_90 = arith.addi %mul3A_0, %mul3A_89 : i32
      "tpu.region"() ({
        %run_scoped3A_91 = tpu.sem_alloc : memref<!tpu.dma_semaphore, #tpu.memory_space<semaphore_mem>>
        %dma_start3A_92 = arith.constant 0 : i32
        %dma_start3A_93 = tpu.memref_slice %arg6[%add3A_90, %dma_start3A_92] : memref<10240x128xf32, #tpu.memory_space<vmem_shared>> -> memref<128x128xf32, #tpu.memory_space<vmem_shared>>
        %dma_start3A_94 = arith.constant 0 : i32
        %dma_start3A_95 = tpu.memref_slice %arg2[%add3A_87, %dma_start3A_94] : memref<20480x128xf32, #tpu.memory_space<hbm>> -> memref<128x128xf32, #tpu.memory_space<hbm>>
        tpu.enqueue_dma source(%dma_start3A_95 : memref<128x128xf32, #tpu.memory_space<hbm>>) target(%dma_start3A_93 : memref<128x128xf32, #tpu.memory_space<vmem_shared>>) target_semaphore(%run_scoped3A_91 : memref<!tpu.dma_semaphore, #tpu.memory_space<semaphore_mem>>)
        %dma_wait3A_96 = arith.constant 0 : i32
        %dma_wait3A_97 = tpu.memref_slice %arg6[%add3A_90, %dma_wait3A_96] : memref<10240x128xf32, #tpu.memory_space<vmem_shared>> -> memref<128x128xf32, #tpu.memory_space<vmem_shared>>
        %dma_wait3A_98 = arith.constant 0 : i32
        %dma_wait3A_99 = tpu.memref_slice %arg2[%add3A_87, %dma_wait3A_98] : memref<20480x128xf32, #tpu.memory_space<hbm>> -> memref<128x128xf32, #tpu.memory_space<hbm>>
        tpu.wait_dma2 semaphore(%run_scoped3A_91 : memref<!tpu.dma_semaphore, #tpu.memory_space<semaphore_mem>>) src(%dma_wait3A_99 : memref<128x128xf32, #tpu.memory_space<hbm>>) dst(%dma_wait3A_97 : memref<128x128xf32, #tpu.memory_space<vmem_shared>>)
        tpu.yield
      }) : () -> ()
    }
    %scan3A_7 = arith.constant 5 : i32
    %barrier3A = arith.constant 0 : index
    tpu.barrier barrier_id(%barrier3A)
    %run_scoped3A = arith.constant 0 : i32
    "tpu.region"() ({
      %run_scoped3A_84 = tpu.sem_alloc : memref<!tpu.dma_semaphore, #tpu.memory_space<semaphore_mem>>
      %dma_start3A_85 = arith.constant 0 : i32
      %dma_start3A_86 = arith.constant 0 : i32
      %dma_start3A_87 = tpu.memref_slice %arg3[%arg0, %arg1, %run_scoped3A, %dma_start3A_85, %dma_start3A_86] : memref<2x16x2x40x125xi32, #tpu.memory_space<hbm>> -> memref<1x1x1x40x125xi32, #tpu.memory_space<hbm>>
      %dma_start3A_88 = tpu.memref_squeeze %dma_start3A_87 : memref<1x1x1x40x125xi32, #tpu.memory_space<hbm>> -> memref<40x125xi32, #tpu.memory_space<hbm>>
      %dma_start3A_89 = arith.constant 0 : i32
      %dma_start3A_90 = arith.constant 0 : i32
      %dma_start3A_91 = tpu.memref_slice %arg3[%arg0, %arg1, %run_scoped3A, %dma_start3A_89, %dma_start3A_90] : memref<2x16x2x40x125xi32, #tpu.memory_space<hbm>> -> memref<1x1x1x40x125xi32, #tpu.memory_space<hbm>>
      %dma_start3A_92 = tpu.memref_squeeze %dma_start3A_91 : memref<1x1x1x40x125xi32, #tpu.memory_space<hbm>> -> memref<40x125xi32, #tpu.memory_space<hbm>>
      tpu.enqueue_dma source(%dma_start3A_92 : memref<40x125xi32, #tpu.memory_space<hbm>>) target(%arg7 : memref<40x125xi32, #tpu.memory_space<vmem>>) target_semaphore(%run_scoped3A_84 : memref<!tpu.dma_semaphore, #tpu.memory_space<semaphore_mem>>)
      %dma_wait3A_93 = arith.constant 0 : i32
      %dma_wait3A_94 = arith.constant 0 : i32
      %dma_wait3A_95 = tpu.memref_slice %arg3[%arg0, %arg1, %run_scoped3A, %dma_wait3A_93, %dma_wait3A_94] : memref<2x16x2x40x125xi32, #tpu.memory_space<hbm>> -> memref<1x1x1x40x125xi32, #tpu.memory_space<hbm>>
      %dma_wait3A_96 = tpu.memref_squeeze %dma_wait3A_95 : memref<1x1x1x40x125xi32, #tpu.memory_space<hbm>> -> memref<40x125xi32, #tpu.memory_space<hbm>>
      %dma_wait3A_97 = arith.constant 0 : i32
      %dma_wait3A_98 = arith.constant 0 : i32
      %dma_wait3A_99 = tpu.memref_slice %arg3[%arg0, %arg1, %run_scoped3A, %dma_wait3A_97, %dma_wait3A_98] : memref<2x16x2x40x125xi32, #tpu.memory_space<hbm>> -> memref<1x1x1x40x125xi32, #tpu.memory_space<hbm>>
      %dma_wait3A_100 = tpu.memref_squeeze %dma_wait3A_99 : memref<1x1x1x40x125xi32, #tpu.memory_space<hbm>> -> memref<40x125xi32, #tpu.memory_space<hbm>>
      tpu.wait_dma2 semaphore(%run_scoped3A_84 : memref<!tpu.dma_semaphore, #tpu.memory_space<semaphore_mem>>) src(%dma_wait3A_100 : memref<40x125xi32, #tpu.memory_space<hbm>>) dst(%arg7 : memref<40x125xi32, #tpu.memory_space<vmem>>)
      tpu.yield
    }) : () -> ()
    %run_scoped3A_8 = arith.constant 0 : i32
    "tpu.region"() ({
      %run_scoped3A_84 = tpu.sem_alloc : memref<!tpu.dma_semaphore, #tpu.memory_space<semaphore_mem>>
      %dma_start3A_85 = arith.constant 0 : i32
      %dma_start3A_86 = arith.constant 0 : i32
      %dma_start3A_87 = tpu.memref_slice %arg4[%arg1, %run_scoped3A_8, %dma_start3A_85, %dma_start3A_86] : memref<16x2x40x125xi32, #tpu.memory_space<hbm>> -> memref<1x1x40x125xi32, #tpu.memory_space<hbm>>
      %dma_start3A_88 = tpu.memref_squeeze %dma_start3A_87 : memref<1x1x40x125xi32, #tpu.memory_space<hbm>> -> memref<40x125xi32, #tpu.memory_space<hbm>>
      %dma_start3A_89 = arith.constant 0 : i32
      %dma_start3A_90 = arith.constant 0 : i32
      %dma_start3A_91 = tpu.memref_slice %arg4[%arg1, %run_scoped3A_8, %dma_start3A_89, %dma_start3A_90] : memref<16x2x40x125xi32, #tpu.memory_space<hbm>> -> memref<1x1x40x125xi32, #tpu.memory_space<hbm>>
      %dma_start3A_92 = tpu.memref_squeeze %dma_start3A_91 : memref<1x1x40x125xi32, #tpu.memory_space<hbm>> -> memref<40x125xi32, #tpu.memory_space<hbm>>
      tpu.enqueue_dma source(%dma_start3A_92 : memref<40x125xi32, #tpu.memory_space<hbm>>) target(%arg8 : memref<40x125xi32, #tpu.memory_space<vmem>>) target_semaphore(%run_scoped3A_84 : memref<!tpu.dma_semaphore, #tpu.memory_space<semaphore_mem>>)
      %dma_wait3A_93 = arith.constant 0 : i32
      %dma_wait3A_94 = arith.constant 0 : i32
      %dma_wait3A_95 = tpu.memref_slice %arg4[%arg1, %run_scoped3A_8, %dma_wait3A_93, %dma_wait3A_94] : memref<16x2x40x125xi32, #tpu.memory_space<hbm>> -> memref<1x1x40x125xi32, #tpu.memory_space<hbm>>
      %dma_wait3A_96 = tpu.memref_squeeze %dma_wait3A_95 : memref<1x1x40x125xi32, #tpu.memory_space<hbm>> -> memref<40x125xi32, #tpu.memory_space<hbm>>
      %dma_wait3A_97 = arith.constant 0 : i32
      %dma_wait3A_98 = arith.constant 0 : i32
      %dma_wait3A_99 = tpu.memref_slice %arg4[%arg1, %run_scoped3A_8, %dma_wait3A_97, %dma_wait3A_98] : memref<16x2x40x125xi32, #tpu.memory_space<hbm>> -> memref<1x1x40x125xi32, #tpu.memory_space<hbm>>
      %dma_wait3A_100 = tpu.memref_squeeze %dma_wait3A_99 : memref<1x1x40x125xi32, #tpu.memory_space<hbm>> -> memref<40x125xi32, #tpu.memory_space<hbm>>
      tpu.wait_dma2 semaphore(%run_scoped3A_84 : memref<!tpu.dma_semaphore, #tpu.memory_space<semaphore_mem>>) src(%dma_wait3A_100 : memref<40x125xi32, #tpu.memory_space<hbm>>) dst(%arg8 : memref<40x125xi32, #tpu.memory_space<vmem>>)
      tpu.yield
    }) : () -> ()
    %dma_start3A = arith.constant 0 : i32
    %dma_start3A_9 = arith.constant 0 : i32
    %dma_start3A_10 = tpu.memref_slice %arg7[%dma_start3A, %dma_start3A_9] : memref<40x125xi32, #tpu.memory_space<vmem>> -> memref<1x125xi32, #tpu.memory_space<vmem>>
    %dma_start3A_11 = tpu.memref_squeeze %dma_start3A_10 : memref<1x125xi32, #tpu.memory_space<vmem>> -> memref<125xi32, #tpu.memory_space<vmem>>
    %dma_start3A_12 = arith.constant 0 : i32
    %dma_start3A_13 = arith.constant 0 : i32
    %dma_start3A_14 = tpu.memref_slice %arg2[%dma_start3A_12, %dma_start3A_13] : memref<20480x128xf32, #tpu.memory_space<hbm>> -> memref<20480x128xf32, #tpu.memory_space<hbm>>
    tpu.enqueue_indirect_dma source(%dma_start3A_14 : memref<20480x128xf32, #tpu.memory_space<hbm>>) target(%arg9 : memref<125x128xf32, #tpu.memory_space<vmem>>) offsets(%dma_start3A_11 : memref<125xi32, #tpu.memory_space<vmem>>) semaphore(%arg11 : memref<!tpu.dma_semaphore, #tpu.memory_space<semaphore_mem>>)
    %dma_start3A_15 = arith.constant 1 : i32
    %dma_start3A_16 = arith.constant 0 : i32
    %dma_start3A_17 = tpu.memref_slice %arg7[%dma_start3A_15, %dma_start3A_16] : memref<40x125xi32, #tpu.memory_space<vmem>> -> memref<1x125xi32, #tpu.memory_space<vmem>>
    %dma_start3A_18 = tpu.memref_squeeze %dma_start3A_17 : memref<1x125xi32, #tpu.memory_space<vmem>> -> memref<125xi32, #tpu.memory_space<vmem>>
    %dma_start3A_19 = arith.constant 0 : i32
    %dma_start3A_20 = arith.constant 0 : i32
    %dma_start3A_21 = tpu.memref_slice %arg2[%dma_start3A_19, %dma_start3A_20] : memref<20480x128xf32, #tpu.memory_space<hbm>> -> memref<20480x128xf32, #tpu.memory_space<hbm>>
    tpu.enqueue_indirect_dma source(%dma_start3A_21 : memref<20480x128xf32, #tpu.memory_space<hbm>>) target(%arg10 : memref<125x128xf32, #tpu.memory_space<vmem>>) offsets(%dma_start3A_18 : memref<125xi32, #tpu.memory_space<vmem>>) semaphore(%arg12 : memref<!tpu.dma_semaphore, #tpu.memory_space<semaphore_mem>>)
    %scan3A_22 = arith.constant 0 : i32
    %scan3A_23 = arith.constant 0 : i32
    %scan3A_24 = arith.constant 20 : i32
    %scan3A_25 = arith.addi %scan3A_23, %scan3A_24 : i32
    %scan3A_26 = arith.constant 1 : i32
    scf.for %scan3A_84 = %scan3A_23 to %scan3A_25 step %scan3A_26  : i32 {
      %mul3A_85 = arith.constant 2 : i32
      %mul3A_86 = arith.muli %mul3A_85, %scan3A_84 : i32
      %add3A = arith.constant 1 : i32
      %add3A_87 = arith.addi %mul3A_86, %add3A : i32
      %add3A_88 = arith.constant 2 : i32
      %add3A_89 = arith.addi %mul3A_86, %add3A_88 : i32
      %min3A = arith.constant 39 : i32
      %min3A_90 = arith.minsi %add3A_89, %min3A : i32
      %add3A_91 = arith.constant 3 : i32
      %add3A_92 = arith.addi %mul3A_86, %add3A_91 : i32
      %min3A_93 = arith.constant 39 : i32
      %min3A_94 = arith.minsi %add3A_92, %min3A_93 : i32
      %dma_wait3A_95 = arith.constant 0 : i32
      %dma_wait3A_96 = tpu.memref_slice %arg7[%mul3A_86, %dma_wait3A_95] : memref<40x125xi32, #tpu.memory_space<vmem>> -> memref<1x125xi32, #tpu.memory_space<vmem>>
      %dma_wait3A_97 = tpu.memref_squeeze %dma_wait3A_96 : memref<1x125xi32, #tpu.memory_space<vmem>> -> memref<125xi32, #tpu.memory_space<vmem>>
      %dma_wait3A_98 = arith.constant 0 : i32
      %dma_wait3A_99 = arith.constant 0 : i32
      %dma_wait3A_100 = tpu.memref_slice %arg2[%dma_wait3A_98, %dma_wait3A_99] : memref<20480x128xf32, #tpu.memory_space<hbm>> -> memref<20480x128xf32, #tpu.memory_space<hbm>>
      tpu.wait_indirect_dma semaphore(%arg11 : memref<!tpu.dma_semaphore, #tpu.memory_space<semaphore_mem>>) src(%dma_wait3A_100 : memref<20480x128xf32, #tpu.memory_space<hbm>>) dst(%arg9 : memref<125x128xf32, #tpu.memory_space<vmem>>)
      "tpu.region"() ({
        %run_scoped3A_119 = tpu.sem_alloc : memref<!tpu.dma_semaphore, #tpu.memory_space<semaphore_mem>>
        %dma_start3A_120 = arith.constant 0 : i32
        %dma_start3A_121 = tpu.memref_slice %arg8[%mul3A_86, %dma_start3A_120] : memref<40x125xi32, #tpu.memory_space<vmem>> -> memref<1x125xi32, #tpu.memory_space<vmem>>
        %dma_start3A_122 = tpu.memref_squeeze %dma_start3A_121 : memref<1x125xi32, #tpu.memory_space<vmem>> -> memref<125xi32, #tpu.memory_space<vmem>>
        %dma_start3A_123 = arith.constant 0 : i32
        %dma_start3A_124 = arith.constant 0 : i32
        %dma_start3A_125 = tpu.memref_slice %arg6[%dma_start3A_123, %dma_start3A_124] : memref<10240x128xf32, #tpu.memory_space<vmem_shared>> -> memref<10240x128xf32, #tpu.memory_space<vmem_shared>>
        tpu.enqueue_indirect_dma source(%arg9 : memref<125x128xf32, #tpu.memory_space<vmem>>) target(%dma_start3A_125 : memref<10240x128xf32, #tpu.memory_space<vmem_shared>>) offsets(%dma_start3A_122 : memref<125xi32, #tpu.memory_space<vmem>>) semaphore(%run_scoped3A_119 : memref<!tpu.dma_semaphore, #tpu.memory_space<semaphore_mem>>) {add = true}
        %dma_wait3A_126 = arith.constant 0 : i32
        %dma_wait3A_127 = tpu.memref_slice %arg8[%mul3A_86, %dma_wait3A_126] : memref<40x125xi32, #tpu.memory_space<vmem>> -> memref<1x125xi32, #tpu.memory_space<vmem>>
        %dma_wait3A_128 = tpu.memref_squeeze %dma_wait3A_127 : memref<1x125xi32, #tpu.memory_space<vmem>> -> memref<125xi32, #tpu.memory_space<vmem>>
        %dma_wait3A_129 = arith.constant 0 : i32
        %dma_wait3A_130 = arith.constant 0 : i32
        %dma_wait3A_131 = tpu.memref_slice %arg6[%dma_wait3A_129, %dma_wait3A_130] : memref<10240x128xf32, #tpu.memory_space<vmem_shared>> -> memref<10240x128xf32, #tpu.memory_space<vmem_shared>>
        tpu.wait_indirect_dma semaphore(%run_scoped3A_119 : memref<!tpu.dma_semaphore, #tpu.memory_space<semaphore_mem>>) src(%arg9 : memref<125x128xf32, #tpu.memory_space<vmem>>) dst(%dma_wait3A_131 : memref<10240x128xf32, #tpu.memory_space<vmem_shared>>)
        tpu.yield
      }) : () -> ()
      %dma_start3A_101 = arith.constant 0 : i32
      %dma_start3A_102 = tpu.memref_slice %arg7[%min3A_90, %dma_start3A_101] : memref<40x125xi32, #tpu.memory_space<vmem>> -> memref<1x125xi32, #tpu.memory_space<vmem>>
      %dma_start3A_103 = tpu.memref_squeeze %dma_start3A_102 : memref<1x125xi32, #tpu.memory_space<vmem>> -> memref<125xi32, #tpu.memory_space<vmem>>
      %dma_start3A_104 = arith.constant 0 : i32
      %dma_start3A_105 = arith.constant 0 : i32
      %dma_start3A_106 = tpu.memref_slice %arg2[%dma_start3A_104, %dma_start3A_105] : memref<20480x128xf32, #tpu.memory_space<hbm>> -> memref<20480x128xf32, #tpu.memory_space<hbm>>
      tpu.enqueue_indirect_dma source(%dma_start3A_106 : memref<20480x128xf32, #tpu.memory_space<hbm>>) target(%arg9 : memref<125x128xf32, #tpu.memory_space<vmem>>) offsets(%dma_start3A_103 : memref<125xi32, #tpu.memory_space<vmem>>) semaphore(%arg11 : memref<!tpu.dma_semaphore, #tpu.memory_space<semaphore_mem>>)
      %dma_wait3A_107 = arith.constant 0 : i32
      %dma_wait3A_108 = tpu.memref_slice %arg7[%add3A_87, %dma_wait3A_107] : memref<40x125xi32, #tpu.memory_space<vmem>> -> memref<1x125xi32, #tpu.memory_space<vmem>>
      %dma_wait3A_109 = tpu.memref_squeeze %dma_wait3A_108 : memref<1x125xi32, #tpu.memory_space<vmem>> -> memref<125xi32, #tpu.memory_space<vmem>>
      %dma_wait3A_110 = arith.constant 0 : i32
      %dma_wait3A_111 = arith.constant 0 : i32
      %dma_wait3A_112 = tpu.memref_slice %arg2[%dma_wait3A_110, %dma_wait3A_111] : memref<20480x128xf32, #tpu.memory_space<hbm>> -> memref<20480x128xf32, #tpu.memory_space<hbm>>
      tpu.wait_indirect_dma semaphore(%arg12 : memref<!tpu.dma_semaphore, #tpu.memory_space<semaphore_mem>>) src(%dma_wait3A_112 : memref<20480x128xf32, #tpu.memory_space<hbm>>) dst(%arg10 : memref<125x128xf32, #tpu.memory_space<vmem>>)
      "tpu.region"() ({
        %run_scoped3A_119 = tpu.sem_alloc : memref<!tpu.dma_semaphore, #tpu.memory_space<semaphore_mem>>
        %dma_start3A_120 = arith.constant 0 : i32
        %dma_start3A_121 = tpu.memref_slice %arg8[%add3A_87, %dma_start3A_120] : memref<40x125xi32, #tpu.memory_space<vmem>> -> memref<1x125xi32, #tpu.memory_space<vmem>>
        %dma_start3A_122 = tpu.memref_squeeze %dma_start3A_121 : memref<1x125xi32, #tpu.memory_space<vmem>> -> memref<125xi32, #tpu.memory_space<vmem>>
        %dma_start3A_123 = arith.constant 0 : i32
        %dma_start3A_124 = arith.constant 0 : i32
        %dma_start3A_125 = tpu.memref_slice %arg6[%dma_start3A_123, %dma_start3A_124] : memref<10240x128xf32, #tpu.memory_space<vmem_shared>> -> memref<10240x128xf32, #tpu.memory_space<vmem_shared>>
        tpu.enqueue_indirect_dma source(%arg10 : memref<125x128xf32, #tpu.memory_space<vmem>>) target(%dma_start3A_125 : memref<10240x128xf32, #tpu.memory_space<vmem_shared>>) offsets(%dma_start3A_122 : memref<125xi32, #tpu.memory_space<vmem>>) semaphore(%run_scoped3A_119 : memref<!tpu.dma_semaphore, #tpu.memory_space<semaphore_mem>>) {add = true}
        %dma_wait3A_126 = arith.constant 0 : i32
        %dma_wait3A_127 = tpu.memref_slice %arg8[%add3A_87, %dma_wait3A_126] : memref<40x125xi32, #tpu.memory_space<vmem>> -> memref<1x125xi32, #tpu.memory_space<vmem>>
        %dma_wait3A_128 = tpu.memref_squeeze %dma_wait3A_127 : memref<1x125xi32, #tpu.memory_space<vmem>> -> memref<125xi32, #tpu.memory_space<vmem>>
        %dma_wait3A_129 = arith.constant 0 : i32
        %dma_wait3A_130 = arith.constant 0 : i32
        %dma_wait3A_131 = tpu.memref_slice %arg6[%dma_wait3A_129, %dma_wait3A_130] : memref<10240x128xf32, #tpu.memory_space<vmem_shared>> -> memref<10240x128xf32, #tpu.memory_space<vmem_shared>>
        tpu.wait_indirect_dma semaphore(%run_scoped3A_119 : memref<!tpu.dma_semaphore, #tpu.memory_space<semaphore_mem>>) src(%arg10 : memref<125x128xf32, #tpu.memory_space<vmem>>) dst(%dma_wait3A_131 : memref<10240x128xf32, #tpu.memory_space<vmem_shared>>)
        tpu.yield
      }) : () -> ()
      %dma_start3A_113 = arith.constant 0 : i32
      %dma_start3A_114 = tpu.memref_slice %arg7[%min3A_94, %dma_start3A_113] : memref<40x125xi32, #tpu.memory_space<vmem>> -> memref<1x125xi32, #tpu.memory_space<vmem>>
      %dma_start3A_115 = tpu.memref_squeeze %dma_start3A_114 : memref<1x125xi32, #tpu.memory_space<vmem>> -> memref<125xi32, #tpu.memory_space<vmem>>
      %dma_start3A_116 = arith.constant 0 : i32
      %dma_start3A_117 = arith.constant 0 : i32
      %dma_start3A_118 = tpu.memref_slice %arg2[%dma_start3A_116, %dma_start3A_117] : memref<20480x128xf32, #tpu.memory_space<hbm>> -> memref<20480x128xf32, #tpu.memory_space<hbm>>
      tpu.enqueue_indirect_dma source(%dma_start3A_118 : memref<20480x128xf32, #tpu.memory_space<hbm>>) target(%arg10 : memref<125x128xf32, #tpu.memory_space<vmem>>) offsets(%dma_start3A_115 : memref<125xi32, #tpu.memory_space<vmem>>) semaphore(%arg12 : memref<!tpu.dma_semaphore, #tpu.memory_space<semaphore_mem>>)
    }
    %scan3A_27 = arith.constant 20 : i32
    %dma_wait3A = arith.constant 39 : i32
    %dma_wait3A_28 = arith.constant 0 : i32
    %dma_wait3A_29 = tpu.memref_slice %arg7[%dma_wait3A, %dma_wait3A_28] : memref<40x125xi32, #tpu.memory_space<vmem>> -> memref<1x125xi32, #tpu.memory_space<vmem>>
    %dma_wait3A_30 = tpu.memref_squeeze %dma_wait3A_29 : memref<1x125xi32, #tpu.memory_space<vmem>> -> memref<125xi32, #tpu.memory_space<vmem>>
    %dma_wait3A_31 = arith.constant 0 : i32
    %dma_wait3A_32 = arith.constant 0 : i32
    %dma_wait3A_33 = tpu.memref_slice %arg2[%dma_wait3A_31, %dma_wait3A_32] : memref<20480x128xf32, #tpu.memory_space<hbm>> -> memref<20480x128xf32, #tpu.memory_space<hbm>>
    tpu.wait_indirect_dma semaphore(%arg11 : memref<!tpu.dma_semaphore, #tpu.memory_space<semaphore_mem>>) src(%dma_wait3A_33 : memref<20480x128xf32, #tpu.memory_space<hbm>>) dst(%arg9 : memref<125x128xf32, #tpu.memory_space<vmem>>)
    %dma_wait3A_34 = arith.constant 39 : i32
    %dma_wait3A_35 = arith.constant 0 : i32
    %dma_wait3A_36 = tpu.memref_slice %arg7[%dma_wait3A_34, %dma_wait3A_35] : memref<40x125xi32, #tpu.memory_space<vmem>> -> memref<1x125xi32, #tpu.memory_space<vmem>>
    %dma_wait3A_37 = tpu.memref_squeeze %dma_wait3A_36 : memref<1x125xi32, #tpu.memory_space<vmem>> -> memref<125xi32, #tpu.memory_space<vmem>>
    %dma_wait3A_38 = arith.constant 0 : i32
    %dma_wait3A_39 = arith.constant 0 : i32
    %dma_wait3A_40 = tpu.memref_slice %arg2[%dma_wait3A_38, %dma_wait3A_39] : memref<20480x128xf32, #tpu.memory_space<hbm>> -> memref<20480x128xf32, #tpu.memory_space<hbm>>
    tpu.wait_indirect_dma semaphore(%arg12 : memref<!tpu.dma_semaphore, #tpu.memory_space<semaphore_mem>>) src(%dma_wait3A_40 : memref<20480x128xf32, #tpu.memory_space<hbm>>) dst(%arg10 : memref<125x128xf32, #tpu.memory_space<vmem>>)
    %run_scoped3A_41 = arith.constant 1 : i32
    "tpu.region"() ({
      %run_scoped3A_84 = tpu.sem_alloc : memref<!tpu.dma_semaphore, #tpu.memory_space<semaphore_mem>>
      %dma_start3A_85 = arith.constant 0 : i32
      %dma_start3A_86 = arith.constant 0 : i32
      %dma_start3A_87 = tpu.memref_slice %arg3[%arg0, %arg1, %run_scoped3A_41, %dma_start3A_85, %dma_start3A_86] : memref<2x16x2x40x125xi32, #tpu.memory_space<hbm>> -> memref<1x1x1x40x125xi32, #tpu.memory_space<hbm>>
      %dma_start3A_88 = tpu.memref_squeeze %dma_start3A_87 : memref<1x1x1x40x125xi32, #tpu.memory_space<hbm>> -> memref<40x125xi32, #tpu.memory_space<hbm>>
      %dma_start3A_89 = arith.constant 0 : i32
      %dma_start3A_90 = arith.constant 0 : i32
      %dma_start3A_91 = tpu.memref_slice %arg3[%arg0, %arg1, %run_scoped3A_41, %dma_start3A_89, %dma_start3A_90] : memref<2x16x2x40x125xi32, #tpu.memory_space<hbm>> -> memref<1x1x1x40x125xi32, #tpu.memory_space<hbm>>
      %dma_start3A_92 = tpu.memref_squeeze %dma_start3A_91 : memref<1x1x1x40x125xi32, #tpu.memory_space<hbm>> -> memref<40x125xi32, #tpu.memory_space<hbm>>
      tpu.enqueue_dma source(%dma_start3A_92 : memref<40x125xi32, #tpu.memory_space<hbm>>) target(%arg7 : memref<40x125xi32, #tpu.memory_space<vmem>>) target_semaphore(%run_scoped3A_84 : memref<!tpu.dma_semaphore, #tpu.memory_space<semaphore_mem>>)
      %dma_wait3A_93 = arith.constant 0 : i32
      %dma_wait3A_94 = arith.constant 0 : i32
      %dma_wait3A_95 = tpu.memref_slice %arg3[%arg0, %arg1, %run_scoped3A_41, %dma_wait3A_93, %dma_wait3A_94] : memref<2x16x2x40x125xi32, #tpu.memory_space<hbm>> -> memref<1x1x1x40x125xi32, #tpu.memory_space<hbm>>
      %dma_wait3A_96 = tpu.memref_squeeze %dma_wait3A_95 : memref<1x1x1x40x125xi32, #tpu.memory_space<hbm>> -> memref<40x125xi32, #tpu.memory_space<hbm>>
      %dma_wait3A_97 = arith.constant 0 : i32
      %dma_wait3A_98 = arith.constant 0 : i32
      %dma_wait3A_99 = tpu.memref_slice %arg3[%arg0, %arg1, %run_scoped3A_41, %dma_wait3A_97, %dma_wait3A_98] : memref<2x16x2x40x125xi32, #tpu.memory_space<hbm>> -> memref<1x1x1x40x125xi32, #tpu.memory_space<hbm>>
      %dma_wait3A_100 = tpu.memref_squeeze %dma_wait3A_99 : memref<1x1x1x40x125xi32, #tpu.memory_space<hbm>> -> memref<40x125xi32, #tpu.memory_space<hbm>>
      tpu.wait_dma2 semaphore(%run_scoped3A_84 : memref<!tpu.dma_semaphore, #tpu.memory_space<semaphore_mem>>) src(%dma_wait3A_100 : memref<40x125xi32, #tpu.memory_space<hbm>>) dst(%arg7 : memref<40x125xi32, #tpu.memory_space<vmem>>)
      tpu.yield
    }) : () -> ()
    %run_scoped3A_42 = arith.constant 1 : i32
    "tpu.region"() ({
      %run_scoped3A_84 = tpu.sem_alloc : memref<!tpu.dma_semaphore, #tpu.memory_space<semaphore_mem>>
      %dma_start3A_85 = arith.constant 0 : i32
      %dma_start3A_86 = arith.constant 0 : i32
      %dma_start3A_87 = tpu.memref_slice %arg4[%arg1, %run_scoped3A_42, %dma_start3A_85, %dma_start3A_86] : memref<16x2x40x125xi32, #tpu.memory_space<hbm>> -> memref<1x1x40x125xi32, #tpu.memory_space<hbm>>
      %dma_start3A_88 = tpu.memref_squeeze %dma_start3A_87 : memref<1x1x40x125xi32, #tpu.memory_space<hbm>> -> memref<40x125xi32, #tpu.memory_space<hbm>>
      %dma_start3A_89 = arith.constant 0 : i32
      %dma_start3A_90 = arith.constant 0 : i32
      %dma_start3A_91 = tpu.memref_slice %arg4[%arg1, %run_scoped3A_42, %dma_start3A_89, %dma_start3A_90] : memref<16x2x40x125xi32, #tpu.memory_space<hbm>> -> memref<1x1x40x125xi32, #tpu.memory_space<hbm>>
      %dma_start3A_92 = tpu.memref_squeeze %dma_start3A_91 : memref<1x1x40x125xi32, #tpu.memory_space<hbm>> -> memref<40x125xi32, #tpu.memory_space<hbm>>
      tpu.enqueue_dma source(%dma_start3A_92 : memref<40x125xi32, #tpu.memory_space<hbm>>) target(%arg8 : memref<40x125xi32, #tpu.memory_space<vmem>>) target_semaphore(%run_scoped3A_84 : memref<!tpu.dma_semaphore, #tpu.memory_space<semaphore_mem>>)
      %dma_wait3A_93 = arith.constant 0 : i32
      %dma_wait3A_94 = arith.constant 0 : i32
      %dma_wait3A_95 = tpu.memref_slice %arg4[%arg1, %run_scoped3A_42, %dma_wait3A_93, %dma_wait3A_94] : memref<16x2x40x125xi32, #tpu.memory_space<hbm>> -> memref<1x1x40x125xi32, #tpu.memory_space<hbm>>
      %dma_wait3A_96 = tpu.memref_squeeze %dma_wait3A_95 : memref<1x1x40x125xi32, #tpu.memory_space<hbm>> -> memref<40x125xi32, #tpu.memory_space<hbm>>
      %dma_wait3A_97 = arith.constant 0 : i32
      %dma_wait3A_98 = arith.constant 0 : i32
      %dma_wait3A_99 = tpu.memref_slice %arg4[%arg1, %run_scoped3A_42, %dma_wait3A_97, %dma_wait3A_98] : memref<16x2x40x125xi32, #tpu.memory_space<hbm>> -> memref<1x1x40x125xi32, #tpu.memory_space<hbm>>
      %dma_wait3A_100 = tpu.memref_squeeze %dma_wait3A_99 : memref<1x1x40x125xi32, #tpu.memory_space<hbm>> -> memref<40x125xi32, #tpu.memory_space<hbm>>
      tpu.wait_dma2 semaphore(%run_scoped3A_84 : memref<!tpu.dma_semaphore, #tpu.memory_space<semaphore_mem>>) src(%dma_wait3A_100 : memref<40x125xi32, #tpu.memory_space<hbm>>) dst(%arg8 : memref<40x125xi32, #tpu.memory_space<vmem>>)
      tpu.yield
    }) : () -> ()
    %dma_start3A_43 = arith.constant 0 : i32
    %dma_start3A_44 = arith.constant 0 : i32
    %dma_start3A_45 = tpu.memref_slice %arg7[%dma_start3A_43, %dma_start3A_44] : memref<40x125xi32, #tpu.memory_space<vmem>> -> memref<1x125xi32, #tpu.memory_space<vmem>>
    %dma_start3A_46 = tpu.memref_squeeze %dma_start3A_45 : memref<1x125xi32, #tpu.memory_space<vmem>> -> memref<125xi32, #tpu.memory_space<vmem>>
    %dma_start3A_47 = arith.constant 0 : i32
    %dma_start3A_48 = arith.constant 0 : i32
    %dma_start3A_49 = tpu.memref_slice %arg2[%dma_start3A_47, %dma_start3A_48] : memref<20480x128xf32, #tpu.memory_space<hbm>> -> memref<20480x128xf32, #tpu.memory_space<hbm>>
    tpu.enqueue_indirect_dma source(%dma_start3A_49 : memref<20480x128xf32, #tpu.memory_space<hbm>>) target(%arg9 : memref<125x128xf32, #tpu.memory_space<vmem>>) offsets(%dma_start3A_46 : memref<125xi32, #tpu.memory_space<vmem>>) semaphore(%arg11 : memref<!tpu.dma_semaphore, #tpu.memory_space<semaphore_mem>>)
    %dma_start3A_50 = arith.constant 1 : i32
    %dma_start3A_51 = arith.constant 0 : i32
    %dma_start3A_52 = tpu.memref_slice %arg7[%dma_start3A_50, %dma_start3A_51] : memref<40x125xi32, #tpu.memory_space<vmem>> -> memref<1x125xi32, #tpu.memory_space<vmem>>
    %dma_start3A_53 = tpu.memref_squeeze %dma_start3A_52 : memref<1x125xi32, #tpu.memory_space<vmem>> -> memref<125xi32, #tpu.memory_space<vmem>>
    %dma_start3A_54 = arith.constant 0 : i32
    %dma_start3A_55 = arith.constant 0 : i32
    %dma_start3A_56 = tpu.memref_slice %arg2[%dma_start3A_54, %dma_start3A_55] : memref<20480x128xf32, #tpu.memory_space<hbm>> -> memref<20480x128xf32, #tpu.memory_space<hbm>>
    tpu.enqueue_indirect_dma source(%dma_start3A_56 : memref<20480x128xf32, #tpu.memory_space<hbm>>) target(%arg10 : memref<125x128xf32, #tpu.memory_space<vmem>>) offsets(%dma_start3A_53 : memref<125xi32, #tpu.memory_space<vmem>>) semaphore(%arg12 : memref<!tpu.dma_semaphore, #tpu.memory_space<semaphore_mem>>)
    %scan3A_57 = arith.constant 0 : i32
    %scan3A_58 = arith.constant 0 : i32
    %scan3A_59 = arith.constant 20 : i32
    %scan3A_60 = arith.addi %scan3A_58, %scan3A_59 : i32
    %scan3A_61 = arith.constant 1 : i32
    scf.for %scan3A_84 = %scan3A_58 to %scan3A_60 step %scan3A_61  : i32 {
      %mul3A_85 = arith.constant 2 : i32
      %mul3A_86 = arith.muli %mul3A_85, %scan3A_84 : i32
      %add3A = arith.constant 1 : i32
      %add3A_87 = arith.addi %mul3A_86, %add3A : i32
      %add3A_88 = arith.constant 2 : i32
      %add3A_89 = arith.addi %mul3A_86, %add3A_88 : i32
      %min3A = arith.constant 39 : i32
      %min3A_90 = arith.minsi %add3A_89, %min3A : i32
      %add3A_91 = arith.constant 3 : i32
      %add3A_92 = arith.addi %mul3A_86, %add3A_91 : i32
      %min3A_93 = arith.constant 39 : i32
      %min3A_94 = arith.minsi %add3A_92, %min3A_93 : i32
      %dma_wait3A_95 = arith.constant 0 : i32
      %dma_wait3A_96 = tpu.memref_slice %arg7[%mul3A_86, %dma_wait3A_95] : memref<40x125xi32, #tpu.memory_space<vmem>> -> memref<1x125xi32, #tpu.memory_space<vmem>>
      %dma_wait3A_97 = tpu.memref_squeeze %dma_wait3A_96 : memref<1x125xi32, #tpu.memory_space<vmem>> -> memref<125xi32, #tpu.memory_space<vmem>>
      %dma_wait3A_98 = arith.constant 0 : i32
      %dma_wait3A_99 = arith.constant 0 : i32
      %dma_wait3A_100 = tpu.memref_slice %arg2[%dma_wait3A_98, %dma_wait3A_99] : memref<20480x128xf32, #tpu.memory_space<hbm>> -> memref<20480x128xf32, #tpu.memory_space<hbm>>
      tpu.wait_indirect_dma semaphore(%arg11 : memref<!tpu.dma_semaphore, #tpu.memory_space<semaphore_mem>>) src(%dma_wait3A_100 : memref<20480x128xf32, #tpu.memory_space<hbm>>) dst(%arg9 : memref<125x128xf32, #tpu.memory_space<vmem>>)
      "tpu.region"() ({
        %run_scoped3A_119 = tpu.sem_alloc : memref<!tpu.dma_semaphore, #tpu.memory_space<semaphore_mem>>
        %dma_start3A_120 = arith.constant 0 : i32
        %dma_start3A_121 = tpu.memref_slice %arg8[%mul3A_86, %dma_start3A_120] : memref<40x125xi32, #tpu.memory_space<vmem>> -> memref<1x125xi32, #tpu.memory_space<vmem>>
        %dma_start3A_122 = tpu.memref_squeeze %dma_start3A_121 : memref<1x125xi32, #tpu.memory_space<vmem>> -> memref<125xi32, #tpu.memory_space<vmem>>
        %dma_start3A_123 = arith.constant 0 : i32
        %dma_start3A_124 = arith.constant 0 : i32
        %dma_start3A_125 = tpu.memref_slice %arg6[%dma_start3A_123, %dma_start3A_124] : memref<10240x128xf32, #tpu.memory_space<vmem_shared>> -> memref<10240x128xf32, #tpu.memory_space<vmem_shared>>
        tpu.enqueue_indirect_dma source(%arg9 : memref<125x128xf32, #tpu.memory_space<vmem>>) target(%dma_start3A_125 : memref<10240x128xf32, #tpu.memory_space<vmem_shared>>) offsets(%dma_start3A_122 : memref<125xi32, #tpu.memory_space<vmem>>) semaphore(%run_scoped3A_119 : memref<!tpu.dma_semaphore, #tpu.memory_space<semaphore_mem>>) {add = true}
        %dma_wait3A_126 = arith.constant 0 : i32
        %dma_wait3A_127 = tpu.memref_slice %arg8[%mul3A_86, %dma_wait3A_126] : memref<40x125xi32, #tpu.memory_space<vmem>> -> memref<1x125xi32, #tpu.memory_space<vmem>>
        %dma_wait3A_128 = tpu.memref_squeeze %dma_wait3A_127 : memref<1x125xi32, #tpu.memory_space<vmem>> -> memref<125xi32, #tpu.memory_space<vmem>>
        %dma_wait3A_129 = arith.constant 0 : i32
        %dma_wait3A_130 = arith.constant 0 : i32
        %dma_wait3A_131 = tpu.memref_slice %arg6[%dma_wait3A_129, %dma_wait3A_130] : memref<10240x128xf32, #tpu.memory_space<vmem_shared>> -> memref<10240x128xf32, #tpu.memory_space<vmem_shared>>
        tpu.wait_indirect_dma semaphore(%run_scoped3A_119 : memref<!tpu.dma_semaphore, #tpu.memory_space<semaphore_mem>>) src(%arg9 : memref<125x128xf32, #tpu.memory_space<vmem>>) dst(%dma_wait3A_131 : memref<10240x128xf32, #tpu.memory_space<vmem_shared>>)
        tpu.yield
      }) : () -> ()
      %dma_start3A_101 = arith.constant 0 : i32
      %dma_start3A_102 = tpu.memref_slice %arg7[%min3A_90, %dma_start3A_101] : memref<40x125xi32, #tpu.memory_space<vmem>> -> memref<1x125xi32, #tpu.memory_space<vmem>>
      %dma_start3A_103 = tpu.memref_squeeze %dma_start3A_102 : memref<1x125xi32, #tpu.memory_space<vmem>> -> memref<125xi32, #tpu.memory_space<vmem>>
      %dma_start3A_104 = arith.constant 0 : i32
      %dma_start3A_105 = arith.constant 0 : i32
      %dma_start3A_106 = tpu.memref_slice %arg2[%dma_start3A_104, %dma_start3A_105] : memref<20480x128xf32, #tpu.memory_space<hbm>> -> memref<20480x128xf32, #tpu.memory_space<hbm>>
      tpu.enqueue_indirect_dma source(%dma_start3A_106 : memref<20480x128xf32, #tpu.memory_space<hbm>>) target(%arg9 : memref<125x128xf32, #tpu.memory_space<vmem>>) offsets(%dma_start3A_103 : memref<125xi32, #tpu.memory_space<vmem>>) semaphore(%arg11 : memref<!tpu.dma_semaphore, #tpu.memory_space<semaphore_mem>>)
      %dma_wait3A_107 = arith.constant 0 : i32
      %dma_wait3A_108 = tpu.memref_slice %arg7[%add3A_87, %dma_wait3A_107] : memref<40x125xi32, #tpu.memory_space<vmem>> -> memref<1x125xi32, #tpu.memory_space<vmem>>
      %dma_wait3A_109 = tpu.memref_squeeze %dma_wait3A_108 : memref<1x125xi32, #tpu.memory_space<vmem>> -> memref<125xi32, #tpu.memory_space<vmem>>
      %dma_wait3A_110 = arith.constant 0 : i32
      %dma_wait3A_111 = arith.constant 0 : i32
      %dma_wait3A_112 = tpu.memref_slice %arg2[%dma_wait3A_110, %dma_wait3A_111] : memref<20480x128xf32, #tpu.memory_space<hbm>> -> memref<20480x128xf32, #tpu.memory_space<hbm>>
      tpu.wait_indirect_dma semaphore(%arg12 : memref<!tpu.dma_semaphore, #tpu.memory_space<semaphore_mem>>) src(%dma_wait3A_112 : memref<20480x128xf32, #tpu.memory_space<hbm>>) dst(%arg10 : memref<125x128xf32, #tpu.memory_space<vmem>>)
      "tpu.region"() ({
        %run_scoped3A_119 = tpu.sem_alloc : memref<!tpu.dma_semaphore, #tpu.memory_space<semaphore_mem>>
        %dma_start3A_120 = arith.constant 0 : i32
        %dma_start3A_121 = tpu.memref_slice %arg8[%add3A_87, %dma_start3A_120] : memref<40x125xi32, #tpu.memory_space<vmem>> -> memref<1x125xi32, #tpu.memory_space<vmem>>
        %dma_start3A_122 = tpu.memref_squeeze %dma_start3A_121 : memref<1x125xi32, #tpu.memory_space<vmem>> -> memref<125xi32, #tpu.memory_space<vmem>>
        %dma_start3A_123 = arith.constant 0 : i32
        %dma_start3A_124 = arith.constant 0 : i32
        %dma_start3A_125 = tpu.memref_slice %arg6[%dma_start3A_123, %dma_start3A_124] : memref<10240x128xf32, #tpu.memory_space<vmem_shared>> -> memref<10240x128xf32, #tpu.memory_space<vmem_shared>>
        tpu.enqueue_indirect_dma source(%arg10 : memref<125x128xf32, #tpu.memory_space<vmem>>) target(%dma_start3A_125 : memref<10240x128xf32, #tpu.memory_space<vmem_shared>>) offsets(%dma_start3A_122 : memref<125xi32, #tpu.memory_space<vmem>>) semaphore(%run_scoped3A_119 : memref<!tpu.dma_semaphore, #tpu.memory_space<semaphore_mem>>) {add = true}
        %dma_wait3A_126 = arith.constant 0 : i32
        %dma_wait3A_127 = tpu.memref_slice %arg8[%add3A_87, %dma_wait3A_126] : memref<40x125xi32, #tpu.memory_space<vmem>> -> memref<1x125xi32, #tpu.memory_space<vmem>>
        %dma_wait3A_128 = tpu.memref_squeeze %dma_wait3A_127 : memref<1x125xi32, #tpu.memory_space<vmem>> -> memref<125xi32, #tpu.memory_space<vmem>>
        %dma_wait3A_129 = arith.constant 0 : i32
        %dma_wait3A_130 = arith.constant 0 : i32
        %dma_wait3A_131 = tpu.memref_slice %arg6[%dma_wait3A_129, %dma_wait3A_130] : memref<10240x128xf32, #tpu.memory_space<vmem_shared>> -> memref<10240x128xf32, #tpu.memory_space<vmem_shared>>
        tpu.wait_indirect_dma semaphore(%run_scoped3A_119 : memref<!tpu.dma_semaphore, #tpu.memory_space<semaphore_mem>>) src(%arg10 : memref<125x128xf32, #tpu.memory_space<vmem>>) dst(%dma_wait3A_131 : memref<10240x128xf32, #tpu.memory_space<vmem_shared>>)
        tpu.yield
      }) : () -> ()
      %dma_start3A_113 = arith.constant 0 : i32
      %dma_start3A_114 = tpu.memref_slice %arg7[%min3A_94, %dma_start3A_113] : memref<40x125xi32, #tpu.memory_space<vmem>> -> memref<1x125xi32, #tpu.memory_space<vmem>>
      %dma_start3A_115 = tpu.memref_squeeze %dma_start3A_114 : memref<1x125xi32, #tpu.memory_space<vmem>> -> memref<125xi32, #tpu.memory_space<vmem>>
      %dma_start3A_116 = arith.constant 0 : i32
      %dma_start3A_117 = arith.constant 0 : i32
      %dma_start3A_118 = tpu.memref_slice %arg2[%dma_start3A_116, %dma_start3A_117] : memref<20480x128xf32, #tpu.memory_space<hbm>> -> memref<20480x128xf32, #tpu.memory_space<hbm>>
      tpu.enqueue_indirect_dma source(%dma_start3A_118 : memref<20480x128xf32, #tpu.memory_space<hbm>>) target(%arg10 : memref<125x128xf32, #tpu.memory_space<vmem>>) offsets(%dma_start3A_115 : memref<125xi32, #tpu.memory_space<vmem>>) semaphore(%arg12 : memref<!tpu.dma_semaphore, #tpu.memory_space<semaphore_mem>>)
    }
    %scan3A_62 = arith.constant 20 : i32
    %dma_wait3A_63 = arith.constant 39 : i32
    %dma_wait3A_64 = arith.constant 0 : i32
    %dma_wait3A_65 = tpu.memref_slice %arg7[%dma_wait3A_63, %dma_wait3A_64] : memref<40x125xi32, #tpu.memory_space<vmem>> -> memref<1x125xi32, #tpu.memory_space<vmem>>
    %dma_wait3A_66 = tpu.memref_squeeze %dma_wait3A_65 : memref<1x125xi32, #tpu.memory_space<vmem>> -> memref<125xi32, #tpu.memory_space<vmem>>
    %dma_wait3A_67 = arith.constant 0 : i32
    %dma_wait3A_68 = arith.constant 0 : i32
    %dma_wait3A_69 = tpu.memref_slice %arg2[%dma_wait3A_67, %dma_wait3A_68] : memref<20480x128xf32, #tpu.memory_space<hbm>> -> memref<20480x128xf32, #tpu.memory_space<hbm>>
    tpu.wait_indirect_dma semaphore(%arg11 : memref<!tpu.dma_semaphore, #tpu.memory_space<semaphore_mem>>) src(%dma_wait3A_69 : memref<20480x128xf32, #tpu.memory_space<hbm>>) dst(%arg9 : memref<125x128xf32, #tpu.memory_space<vmem>>)
    %dma_wait3A_70 = arith.constant 39 : i32
    %dma_wait3A_71 = arith.constant 0 : i32
    %dma_wait3A_72 = tpu.memref_slice %arg7[%dma_wait3A_70, %dma_wait3A_71] : memref<40x125xi32, #tpu.memory_space<vmem>> -> memref<1x125xi32, #tpu.memory_space<vmem>>
    %dma_wait3A_73 = tpu.memref_squeeze %dma_wait3A_72 : memref<1x125xi32, #tpu.memory_space<vmem>> -> memref<125xi32, #tpu.memory_space<vmem>>
    %dma_wait3A_74 = arith.constant 0 : i32
    %dma_wait3A_75 = arith.constant 0 : i32
    %dma_wait3A_76 = tpu.memref_slice %arg2[%dma_wait3A_74, %dma_wait3A_75] : memref<20480x128xf32, #tpu.memory_space<hbm>> -> memref<20480x128xf32, #tpu.memory_space<hbm>>
    tpu.wait_indirect_dma semaphore(%arg12 : memref<!tpu.dma_semaphore, #tpu.memory_space<semaphore_mem>>) src(%dma_wait3A_76 : memref<20480x128xf32, #tpu.memory_space<hbm>>) dst(%arg10 : memref<125x128xf32, #tpu.memory_space<vmem>>)
    %barrier3A_77 = arith.constant 0 : index
    tpu.barrier barrier_id(%barrier3A_77)
    %scan3A_78 = arith.constant 0 : i32
    %scan3A_79 = arith.constant 0 : i32
    %scan3A_80 = arith.constant 5 : i32
    %scan3A_81 = arith.addi %scan3A_79, %scan3A_80 : i32
    %scan3A_82 = arith.constant 1 : i32
    scf.for %scan3A_84 = %scan3A_79 to %scan3A_81 step %scan3A_82  : i32 {
      %mul3A_85 = arith.constant 128 : i32
      %mul3A_86 = arith.muli %scan3A_84, %mul3A_85 : i32
      %add3A = arith.addi %mul3A_0, %mul3A_86 : i32
      %add3A_87 = arith.addi %mul3A_2, %mul3A_0 : i32
      %mul3A_88 = arith.constant 128 : i32
      %mul3A_89 = arith.muli %scan3A_84, %mul3A_88 : i32
      %add3A_90 = arith.addi %add3A_87, %mul3A_89 : i32
      "tpu.region"() ({
        %run_scoped3A_91 = tpu.sem_alloc : memref<!tpu.dma_semaphore, #tpu.memory_space<semaphore_mem>>
        %dma_start3A_92 = arith.constant 0 : i32
        %dma_start3A_93 = tpu.memref_slice %arg5[%add3A_90, %dma_start3A_92] : memref<20480x128xf32, #tpu.memory_space<hbm>> -> memref<128x128xf32, #tpu.memory_space<hbm>>
        %dma_start3A_94 = arith.constant 0 : i32
        %dma_start3A_95 = tpu.memref_slice %arg6[%add3A, %dma_start3A_94] : memref<10240x128xf32, #tpu.memory_space<vmem_shared>> -> memref<128x128xf32, #tpu.memory_space<vmem_shared>>
        tpu.enqueue_dma source(%dma_start3A_95 : memref<128x128xf32, #tpu.memory_space<vmem_shared>>) target(%dma_start3A_93 : memref<128x128xf32, #tpu.memory_space<hbm>>) target_semaphore(%run_scoped3A_91 : memref<!tpu.dma_semaphore, #tpu.memory_space<semaphore_mem>>)
        %dma_wait3A_96 = arith.constant 0 : i32
        %dma_wait3A_97 = tpu.memref_slice %arg5[%add3A_90, %dma_wait3A_96] : memref<20480x128xf32, #tpu.memory_space<hbm>> -> memref<128x128xf32, #tpu.memory_space<hbm>>
        %dma_wait3A_98 = arith.constant 0 : i32
        %dma_wait3A_99 = tpu.memref_slice %arg6[%add3A, %dma_wait3A_98] : memref<10240x128xf32, #tpu.memory_space<vmem_shared>> -> memref<128x128xf32, #tpu.memory_space<vmem_shared>>
        tpu.wait_dma2 semaphore(%run_scoped3A_91 : memref<!tpu.dma_semaphore, #tpu.memory_space<semaphore_mem>>) src(%dma_wait3A_99 : memref<128x128xf32, #tpu.memory_space<vmem_shared>>) dst(%dma_wait3A_97 : memref<128x128xf32, #tpu.memory_space<hbm>>)
        tpu.yield
      }) : () -> ()
    }
    %scan3A_83 = arith.constant 5 : i32
    return
  }
}

module attributes {stable_mosaic.version = 14 : i64} {
  func.func @_embed_body(%arg0: i32, %arg1: memref<2000x256xf32, #tpu.memory_space<vmem>>, %arg2: memref<256x256xf32, #tpu.memory_space<vmem>>, %arg3: memref<1x256xf32, #tpu.memory_space<vmem>>, %arg4: memref<256x256xf32, #tpu.memory_space<vmem>>, %arg5: memref<2000x1xf32, #tpu.memory_space<vmem>>, %arg6: memref<2x2000x128xf32, #tpu.memory_space<vmem>>) attributes {dimension_semantics = [#tpu.dimension_semantics<arbitrary>], iteration_bounds = array<i64: 5>, scalar_prefetch = 0 : i64, scratch_operands = 0 : i64, tpu.core_type = #tpu.core_type<tc>, window_params = [{transform_indices = @transform_0, window_bounds = array<i64: 2000, 256>}, {pipeline_mode = #tpu.pipeline_mode<synchronous>, transform_indices = @transform_1, window_bounds = array<i64: 256, 256>}, {pipeline_mode = #tpu.pipeline_mode<synchronous>, transform_indices = @transform_2, window_bounds = array<i64: 1, 256>}, {pipeline_mode = #tpu.pipeline_mode<synchronous>, transform_indices = @transform_3, window_bounds = array<i64: 256, 256>}, {transform_indices = @transform_4, window_bounds = array<i64: 2000, 1>}, {transform_indices = @transform_5, window_bounds = array<i64: 2, 2000, 128>}]} {
    %get3A = arith.constant 0 : index
    %get3A_0 = arith.constant 0 : index
    %get3A_1 = vector.load %arg5[%get3A, %get3A_0] : memref<2000x1xf32, #tpu.memory_space<vmem>>, vector<2000x1xf32>
    %add3A = arith.constant 1.000000e+00 : f32
    %add3A_2 = vector.broadcast %add3A : f32 to vector<2000x1xf32>
    %add3A_3 = arith.addf %get3A_1, %add3A_2 : vector<2000x1xf32>
    %rsqrt3A = math.rsqrt %add3A_3 : vector<2000x1xf32>
    %get3A_4 = arith.constant 0 : index
    %get3A_5 = arith.constant 0 : index
    %get3A_6 = vector.load %arg1[%get3A_4, %get3A_5] : memref<2000x256xf32, #tpu.memory_space<vmem>>, vector<2000x256xf32>
    %get3A_7 = arith.constant 0 : index
    %get3A_8 = arith.constant 0 : index
    %get3A_9 = vector.load %arg2[%get3A_7, %get3A_8] : memref<256x256xf32, #tpu.memory_space<vmem>>, vector<256x256xf32>
    %dot_general3A = arith.constant dense<0.000000e+00> : vector<2000x256xf32>
    %dot_general3A_10 = tpu.matmul %get3A_6, %get3A_9, %dot_general3A {dimension_numbers = #tpu.dot_dimension_numbers<[1], [0], [0], [1], [0, 0, 1, 1], [], []>, transpose_lhs_hint = false} : vector<2000x256xf32>, vector<256x256xf32>, vector<2000x256xf32> -> vector<2000x256xf32>
    %get3A_11 = arith.constant 0 : index
    %get3A_12 = arith.constant 0 : index
    %get3A_13 = vector.load %arg3[%get3A_11, %get3A_12] : memref<1x256xf32, #tpu.memory_space<vmem>>, vector<1x256xf32>
    %add3A_14 = vector.broadcast %get3A_13 : vector<1x256xf32> to vector<2000x256xf32>
    %add3A_15 = arith.addf %dot_general3A_10, %add3A_14 : vector<2000x256xf32>
    %get3A_16 = arith.constant 0 : index
    %get3A_17 = arith.constant 0 : index
    %get3A_18 = vector.load %arg4[%get3A_16, %get3A_17] : memref<256x256xf32, #tpu.memory_space<vmem>>, vector<256x256xf32>
    %dot_general3A_19 = arith.constant dense<0.000000e+00> : vector<2000x256xf32>
    %dot_general3A_20 = tpu.matmul %add3A_15, %get3A_18, %dot_general3A_19 {dimension_numbers = #tpu.dot_dimension_numbers<[1], [0], [0], [1], [0, 0, 1, 1], [], []>, transpose_lhs_hint = false} : vector<2000x256xf32>, vector<256x256xf32>, vector<2000x256xf32> -> vector<2000x256xf32>
    %mul3A = vector.broadcast %rsqrt3A : vector<2000x1xf32> to vector<2000x256xf32>
    %mul3A_21 = arith.mulf %dot_general3A_20, %mul3A : vector<2000x256xf32>
    %slice3A = vector.extract_strided_slice %mul3A_21 {offsets = [0, 0], sizes = [2000, 128], strides = [1, 1]} : vector<2000x256xf32> to vector<2000x128xf32>
    %swap3A = arith.constant 0 : index
    %swap3A_22 = arith.constant 0 : index
    %swap3A_23 = arith.constant 0 : index
    %swap3A_24 = vector.load %arg6[%swap3A, %swap3A_22, %swap3A_23] : memref<2x2000x128xf32, #tpu.memory_space<vmem>>, vector<1x2000x128xf32>
    %swap3A_25 = vector.shape_cast %swap3A_24 : vector<1x2000x128xf32> to vector<2000x128xf32>
    %swap3A_26 = vector.shape_cast %slice3A : vector<2000x128xf32> to vector<1x2000x128xf32>
    tpu.vector_store %arg6[%swap3A, %swap3A_22, %swap3A_23], %swap3A_26 {strides = array<i32>} : memref<2x2000x128xf32, #tpu.memory_space<vmem>>, vector<1x2000x128xf32>,
    %slice3A_27 = vector.extract_strided_slice %mul3A_21 {offsets = [0, 128], sizes = [2000, 128], strides = [1, 1]} : vector<2000x256xf32> to vector<2000x128xf32>
    %swap3A_28 = arith.constant 1 : index
    %swap3A_29 = arith.constant 0 : index
    %swap3A_30 = arith.constant 0 : index
    %swap3A_31 = vector.load %arg6[%swap3A_28, %swap3A_29, %swap3A_30] : memref<2x2000x128xf32, #tpu.memory_space<vmem>>, vector<1x2000x128xf32>
    %swap3A_32 = vector.shape_cast %swap3A_31 : vector<1x2000x128xf32> to vector<2000x128xf32>
    %swap3A_33 = vector.shape_cast %slice3A_27 : vector<2000x128xf32> to vector<1x2000x128xf32>
    tpu.vector_store %arg6[%swap3A_28, %swap3A_29, %swap3A_30], %swap3A_33 {strides = array<i32>} : memref<2x2000x128xf32, #tpu.memory_space<vmem>>, vector<1x2000x128xf32>,
    return
  }
  func.func @transform_0(%arg0: i32) -> (i32, i32) {
    %c0_i32 = arith.constant 0 : i32
    %c0_i32_0 = arith.constant 0 : i32
    return %arg0, %c0_i32 : i32, i32
  }
  func.func @transform_1(%arg0: i32) -> (i32, i32) {
    %c0_i32 = arith.constant 0 : i32
    %c0_i32_0 = arith.constant 0 : i32
    %c0_i32_1 = arith.constant 0 : i32
    return %c0_i32, %c0_i32_0 : i32, i32
  }
  func.func @transform_2(%arg0: i32) -> (i32, i32) {
    %c0_i32 = arith.constant 0 : i32
    %c0_i32_0 = arith.constant 0 : i32
    %c0_i32_1 = arith.constant 0 : i32
    return %c0_i32, %c0_i32_0 : i32, i32
  }
  func.func @transform_3(%arg0: i32) -> (i32, i32) {
    %c0_i32 = arith.constant 0 : i32
    %c0_i32_0 = arith.constant 0 : i32
    %c0_i32_1 = arith.constant 0 : i32
    return %c0_i32, %c0_i32_0 : i32, i32
  }
  func.func @transform_4(%arg0: i32) -> (i32, i32) {
    %c0_i32 = arith.constant 0 : i32
    %c0_i32_0 = arith.constant 0 : i32
    return %arg0, %c0_i32 : i32, i32
  }
  func.func @transform_5(%arg0: i32) -> (i32, i32, i32) {
    %c0_i32 = arith.constant 0 : i32
    %c0_i32_0 = arith.constant 0 : i32
    %c0_i32_1 = arith.constant 0 : i32
    return %c0_i32, %arg0, %c0_i32_0 : i32, i32, i32
  }
}

module attributes {stable_mosaic.version = 14 : i64} {
  func.func @_mid_body(%arg0: i32, %arg1: memref<2x2000x128xf32, #tpu.memory_space<vmem>>, %arg2: memref<2000x1xf32, #tpu.memory_space<vmem>>, %arg3: memref<1x256xf32, #tpu.memory_space<vmem>>, %arg4: memref<256x256xf32, #tpu.memory_space<vmem>>, %arg5: memref<2x2000x128xf32, #tpu.memory_space<vmem>>) attributes {dimension_semantics = [#tpu.dimension_semantics<arbitrary>], iteration_bounds = array<i64: 5>, scalar_prefetch = 0 : i64, scratch_operands = 0 : i64, tpu.core_type = #tpu.core_type<tc>, window_params = [{transform_indices = @transform_0, window_bounds = array<i64: 2, 2000, 128>}, {transform_indices = @transform_1, window_bounds = array<i64: 2000, 1>}, {pipeline_mode = #tpu.pipeline_mode<synchronous>, transform_indices = @transform_2, window_bounds = array<i64: 1, 256>}, {pipeline_mode = #tpu.pipeline_mode<synchronous>, transform_indices = @transform_3, window_bounds = array<i64: 256, 256>}, {transform_indices = @transform_4, window_bounds = array<i64: 2, 2000, 128>}]} {
    %get3A = arith.constant 0 : index
    %get3A_0 = arith.constant 0 : index
    %get3A_1 = vector.load %arg2[%get3A, %get3A_0] : memref<2000x1xf32, #tpu.memory_space<vmem>>, vector<2000x1xf32>
    %add3A = arith.constant 1.000000e+00 : f32
    %add3A_2 = vector.broadcast %add3A : f32 to vector<2000x1xf32>
    %add3A_3 = arith.addf %get3A_1, %add3A_2 : vector<2000x1xf32>
    %rsqrt3A = math.rsqrt %add3A_3 : vector<2000x1xf32>
    %get3A_4 = arith.constant 0 : index
    %get3A_5 = arith.constant 0 : index
    %get3A_6 = arith.constant 0 : index
    %get3A_7 = vector.load %arg1[%get3A_4, %get3A_5, %get3A_6] : memref<2x2000x128xf32, #tpu.memory_space<vmem>>, vector<2x2000x128xf32>
    %slice3A = vector.extract_strided_slice %get3A_7 {offsets = [0, 0, 0], sizes = [1, 2000, 128], strides = [1, 1, 1]} : vector<2x2000x128xf32> to vector<1x2000x128xf32>
    %squeeze3A = vector.shape_cast %slice3A : vector<1x2000x128xf32> to vector<2000x128xf32>
    %slice3A_8 = vector.extract_strided_slice %get3A_7 {offsets = [1, 0, 0], sizes = [1, 2000, 128], strides = [1, 1, 1]} : vector<2x2000x128xf32> to vector<1x2000x128xf32>
    %squeeze3A_9 = vector.shape_cast %slice3A_8 : vector<1x2000x128xf32> to vector<2000x128xf32>
    %concatenate3A = tpu.concatenate %squeeze3A, %squeeze3A_9 in 1 : vector<2000x128xf32>, vector<2000x128xf32> -> vector<2000x256xf32>
    %mul3A = vector.broadcast %rsqrt3A : vector<2000x1xf32> to vector<2000x256xf32>
    %mul3A_10 = arith.mulf %concatenate3A, %mul3A : vector<2000x256xf32>
    %get3A_11 = arith.constant 0 : index
    %get3A_12 = arith.constant 0 : index
    %get3A_13 = vector.load %arg3[%get3A_11, %get3A_12] : memref<1x256xf32, #tpu.memory_space<vmem>>, vector<1x256xf32>
    %add3A_14 = vector.broadcast %get3A_13 : vector<1x256xf32> to vector<2000x256xf32>
    %add3A_15 = arith.addf %mul3A_10, %add3A_14 : vector<2000x256xf32>
    %max3A = arith.constant 0.000000e+00 : f32
    %max3A_16 = vector.broadcast %max3A : f32 to vector<2000x256xf32>
    %max3A_17 = arith.maximumf %add3A_15, %max3A_16 : vector<2000x256xf32>
    %get3A_18 = arith.constant 0 : index
    %get3A_19 = arith.constant 0 : index
    %get3A_20 = vector.load %arg4[%get3A_18, %get3A_19] : memref<256x256xf32, #tpu.memory_space<vmem>>, vector<256x256xf32>
    %dot_general3A = arith.constant dense<0.000000e+00> : vector<2000x256xf32>
    %dot_general3A_21 = tpu.matmul %max3A_17, %get3A_20, %dot_general3A {dimension_numbers = #tpu.dot_dimension_numbers<[1], [0], [0], [1], [0, 0, 1, 1], [], []>, transpose_lhs_hint = false} : vector<2000x256xf32>, vector<256x256xf32>, vector<2000x256xf32> -> vector<2000x256xf32>
    %mul3A_22 = vector.broadcast %rsqrt3A : vector<2000x1xf32> to vector<2000x256xf32>
    %mul3A_23 = arith.mulf %dot_general3A_21, %mul3A_22 : vector<2000x256xf32>
    %slice3A_24 = vector.extract_strided_slice %mul3A_23 {offsets = [0, 0], sizes = [2000, 128], strides = [1, 1]} : vector<2000x256xf32> to vector<2000x128xf32>
    %swap3A = arith.constant 0 : index
    %swap3A_25 = arith.constant 0 : index
    %swap3A_26 = arith.constant 0 : index
    %swap3A_27 = vector.load %arg5[%swap3A, %swap3A_25, %swap3A_26] : memref<2x2000x128xf32, #tpu.memory_space<vmem>>, vector<1x2000x128xf32>
    %swap3A_28 = vector.shape_cast %swap3A_27 : vector<1x2000x128xf32> to vector<2000x128xf32>
    %swap3A_29 = vector.shape_cast %slice3A_24 : vector<2000x128xf32> to vector<1x2000x128xf32>
    tpu.vector_store %arg5[%swap3A, %swap3A_25, %swap3A_26], %swap3A_29 {strides = array<i32>} : memref<2x2000x128xf32, #tpu.memory_space<vmem>>, vector<1x2000x128xf32>,
    %slice3A_30 = vector.extract_strided_slice %mul3A_23 {offsets = [0, 128], sizes = [2000, 128], strides = [1, 1]} : vector<2000x256xf32> to vector<2000x128xf32>
    %swap3A_31 = arith.constant 1 : index
    %swap3A_32 = arith.constant 0 : index
    %swap3A_33 = arith.constant 0 : index
    %swap3A_34 = vector.load %arg5[%swap3A_31, %swap3A_32, %swap3A_33] : memref<2x2000x128xf32, #tpu.memory_space<vmem>>, vector<1x2000x128xf32>
    %swap3A_35 = vector.shape_cast %swap3A_34 : vector<1x2000x128xf32> to vector<2000x128xf32>
    %swap3A_36 = vector.shape_cast %slice3A_30 : vector<2000x128xf32> to vector<1x2000x128xf32>
    tpu.vector_store %arg5[%swap3A_31, %swap3A_32, %swap3A_33], %swap3A_36 {strides = array<i32>} : memref<2x2000x128xf32, #tpu.memory_space<vmem>>, vector<1x2000x128xf32>,
    return
  }
  func.func @transform_0(%arg0: i32) -> (i32, i32, i32) {
    %c0_i32 = arith.constant 0 : i32
    %c0_i32_0 = arith.constant 0 : i32
    %c0_i32_1 = arith.constant 0 : i32
    return %c0_i32, %arg0, %c0_i32_0 : i32, i32, i32
  }
  func.func @transform_1(%arg0: i32) -> (i32, i32) {
    %c0_i32 = arith.constant 0 : i32
    %c0_i32_0 = arith.constant 0 : i32
    return %arg0, %c0_i32 : i32, i32
  }
  func.func @transform_2(%arg0: i32) -> (i32, i32) {
    %c0_i32 = arith.constant 0 : i32
    %c0_i32_0 = arith.constant 0 : i32
    %c0_i32_1 = arith.constant 0 : i32
    return %c0_i32, %c0_i32_0 : i32, i32
  }
  func.func @transform_3(%arg0: i32) -> (i32, i32) {
    %c0_i32 = arith.constant 0 : i32
    %c0_i32_0 = arith.constant 0 : i32
    %c0_i32_1 = arith.constant 0 : i32
    return %c0_i32, %c0_i32_0 : i32, i32
  }
  func.func @transform_4(%arg0: i32) -> (i32, i32, i32) {
    %c0_i32 = arith.constant 0 : i32
    %c0_i32_0 = arith.constant 0 : i32
    %c0_i32_1 = arith.constant 0 : i32
    return %c0_i32, %arg0, %c0_i32_0 : i32, i32, i32
  }
}

module attributes {stable_mosaic.version = 14 : i64} {
  func.func @_pool_body(%arg0: i32, %arg1: memref<2x2000x128xf32, #tpu.memory_space<vmem>>, %arg2: memref<2000x1xf32, #tpu.memory_space<vmem>>, %arg3: memref<1x256xf32, #tpu.memory_space<vmem>>, %arg4: memref<2000x1xi32, #tpu.memory_space<vmem>>, %arg5: memref<64x256xf32, #tpu.memory_space<vmem>>) attributes {dimension_semantics = [#tpu.dimension_semantics<arbitrary>], iteration_bounds = array<i64: 5>, scalar_prefetch = 0 : i64, scratch_operands = 0 : i64, tpu.core_type = #tpu.core_type<tc>, window_params = [{transform_indices = @transform_0, window_bounds = array<i64: 2, 2000, 128>}, {transform_indices = @transform_1, window_bounds = array<i64: 2000, 1>}, {pipeline_mode = #tpu.pipeline_mode<synchronous>, transform_indices = @transform_2, window_bounds = array<i64: 1, 256>}, {transform_indices = @transform_3, window_bounds = array<i64: 2000, 1>}, {pipeline_mode = #tpu.pipeline_mode<synchronous>, transform_indices = @transform_4, window_bounds = array<i64: 64, 256>}]} {
    %get3A = arith.constant 0 : index
    %get3A_0 = arith.constant 0 : index
    %get3A_1 = vector.load %arg2[%get3A, %get3A_0] : memref<2000x1xf32, #tpu.memory_space<vmem>>, vector<2000x1xf32>
    %add3A = arith.constant 1.000000e+00 : f32
    %add3A_2 = vector.broadcast %add3A : f32 to vector<2000x1xf32>
    %add3A_3 = arith.addf %get3A_1, %add3A_2 : vector<2000x1xf32>
    %rsqrt3A = math.rsqrt %add3A_3 : vector<2000x1xf32>
    %get3A_4 = arith.constant 0 : index
    %get3A_5 = arith.constant 0 : index
    %get3A_6 = arith.constant 0 : index
    %get3A_7 = vector.load %arg1[%get3A_4, %get3A_5, %get3A_6] : memref<2x2000x128xf32, #tpu.memory_space<vmem>>, vector<2x2000x128xf32>
    %slice3A = vector.extract_strided_slice %get3A_7 {offsets = [0, 0, 0], sizes = [1, 2000, 128], strides = [1, 1, 1]} : vector<2x2000x128xf32> to vector<1x2000x128xf32>
    %squeeze3A = vector.shape_cast %slice3A : vector<1x2000x128xf32> to vector<2000x128xf32>
    %slice3A_8 = vector.extract_strided_slice %get3A_7 {offsets = [1, 0, 0], sizes = [1, 2000, 128], strides = [1, 1, 1]} : vector<2x2000x128xf32> to vector<1x2000x128xf32>
    %squeeze3A_9 = vector.shape_cast %slice3A_8 : vector<1x2000x128xf32> to vector<2000x128xf32>
    %concatenate3A = tpu.concatenate %squeeze3A, %squeeze3A_9 in 1 : vector<2000x128xf32>, vector<2000x128xf32> -> vector<2000x256xf32>
    %mul3A = vector.broadcast %rsqrt3A : vector<2000x1xf32> to vector<2000x256xf32>
    %mul3A_10 = arith.mulf %concatenate3A, %mul3A : vector<2000x256xf32>
    %get3A_11 = arith.constant 0 : index
    %get3A_12 = arith.constant 0 : index
    %get3A_13 = vector.load %arg3[%get3A_11, %get3A_12] : memref<1x256xf32, #tpu.memory_space<vmem>>, vector<1x256xf32>
    %add3A_14 = vector.broadcast %get3A_13 : vector<1x256xf32> to vector<2000x256xf32>
    %add3A_15 = arith.addf %mul3A_10, %add3A_14 : vector<2000x256xf32>
    %max3A = arith.constant 0.000000e+00 : f32
    %max3A_16 = vector.broadcast %max3A : f32 to vector<2000x256xf32>
    %max3A_17 = arith.maximumf %add3A_15, %max3A_16 : vector<2000x256xf32>
    %iota3A = tpu.iota {dimensions = array<i32: 1>} : vector<2000x64xi32>
    %get3A_18 = arith.constant 0 : index
    %get3A_19 = arith.constant 0 : index
    %get3A_20 = vector.load %arg4[%get3A_18, %get3A_19] : memref<2000x1xi32, #tpu.memory_space<vmem>>, vector<2000x1xi32>
    %eq3A = vector.broadcast %get3A_20 : vector<2000x1xi32> to vector<2000x64xi32>
    %eq3A_21 = arith.cmpi eq, %eq3A, %iota3A : vector<2000x64xi32>
    %convert_element_type3A = arith.extui %eq3A_21 : vector<2000x64xi1> to vector<2000x64xi32>
    %convert_element_type3A_22 = arith.sitofp %convert_element_type3A : vector<2000x64xi32> to vector<2000x64xf32>
    %dot_general3A = arith.constant dense<0.000000e+00> : vector<64x256xf32>
    %dot_general3A_23 = tpu.matmul %convert_element_type3A_22, %max3A_17, %dot_general3A {dimension_numbers = #tpu.dot_dimension_numbers<[0], [0], [1], [1], [0, 1, 1, 1], [], []>, transpose_lhs_hint = false} : vector<2000x64xf32>, vector<2000x256xf32>, vector<64x256xf32> -> vector<64x256xf32>
    %eq3A_24 = arith.constant 0 : i32
    %eq3A_25 = arith.cmpi eq, %arg0, %eq3A_24 : i32
    %convert_element_type3A_26 = arith.extui %eq3A_25 : i1 to i32
    %cond3A = arith.constant 0 : i32
    %cond3A_27 = arith.cmpi ne, %convert_element_type3A_26, %cond3A : i32
    scf.if %cond3A_27 {
      %swap3A = arith.constant 0 : index
      %swap3A_32 = arith.constant 0 : index
      %swap3A_33 = vector.load %arg5[%swap3A, %swap3A_32] : memref<64x256xf32, #tpu.memory_space<vmem>>, vector<64x256xf32>
      tpu.vector_store %arg5[%swap3A, %swap3A_32], %dot_general3A_23 {strides = array<i32>} : memref<64x256xf32, #tpu.memory_space<vmem>>, vector<64x256xf32>,
    } else {
    }
    %gt3A = arith.constant 0 : i32
    %gt3A_28 = arith.cmpi sgt, %arg0, %gt3A : i32
    %convert_element_type3A_29 = arith.extui %gt3A_28 : i1 to i32
    %cond3A_30 = arith.constant 0 : i32
    %cond3A_31 = arith.cmpi ne, %convert_element_type3A_29, %cond3A_30 : i32
    scf.if %cond3A_31 {
      %get3A_32 = arith.constant 0 : index
      %get3A_33 = arith.constant 0 : index
      %get3A_34 = vector.load %arg5[%get3A_32, %get3A_33] : memref<64x256xf32, #tpu.memory_space<vmem>>, vector<64x256xf32>
      %add3A_35 = arith.addf %get3A_34, %dot_general3A_23 : vector<64x256xf32>
      %swap3A = arith.constant 0 : index
      %swap3A_36 = arith.constant 0 : index
      %swap3A_37 = vector.load %arg5[%swap3A, %swap3A_36] : memref<64x256xf32, #tpu.memory_space<vmem>>, vector<64x256xf32>
      tpu.vector_store %arg5[%swap3A, %swap3A_36], %add3A_35 {strides = array<i32>} : memref<64x256xf32, #tpu.memory_space<vmem>>, vector<64x256xf32>,
    } else {
    }
    return
  }
  func.func @transform_0(%arg0: i32) -> (i32, i32, i32) {
    %c0_i32 = arith.constant 0 : i32
    %c0_i32_0 = arith.constant 0 : i32
    %c0_i32_1 = arith.constant 0 : i32
    return %c0_i32, %arg0, %c0_i32_0 : i32, i32, i32
  }
  func.func @transform_1(%arg0: i32) -> (i32, i32) {
    %c0_i32 = arith.constant 0 : i32
    %c0_i32_0 = arith.constant 0 : i32
    return %arg0, %c0_i32 : i32, i32
  }
  func.func @transform_2(%arg0: i32) -> (i32, i32) {
    %c0_i32 = arith.constant 0 : i32
    %c0_i32_0 = arith.constant 0 : i32
    %c0_i32_1 = arith.constant 0 : i32
    return %c0_i32, %c0_i32_0 : i32, i32
  }
  func.func @transform_3(%arg0: i32) -> (i32, i32) {
    %c0_i32 = arith.constant 0 : i32
    %c0_i32_0 = arith.constant 0 : i32
    return %arg0, %c0_i32 : i32, i32
  }
  func.func @transform_4(%arg0: i32) -> (i32, i32) {
    %c0_i32 = arith.constant 0 : i32
    %c0_i32_0 = arith.constant 0 : i32
    %c0_i32_1 = arith.constant 0 : i32
    return %c0_i32, %c0_i32_0 : i32, i32
  }
}

</mosaic_0001>

<sc_bundles>
// kernel: kernel.11.cloned.1.call-start
scs
__scs_entry_jumppad:
0x0: {  	(pc) =	sbr.rel $0x88, $3  }
0x1: {  	(tag) =	ssettag $0x0;
	lr =	simm.s32 $0x1  }
0x2: {  	[smem:$0x3F98] =	sst lr;
	_ =	strace $0xD0000000  }
0x3: {  	_ = 	snop  }
0x4: {  	_ = 	snop  }
0x5: {  	_ = 	snop  }
0x6: {  	_ = 	snop  }
0x7: {  	_ = 	snop  }
__scs_overlays_trampoline_lowered:
0x8: {  	[smem:$0x3FA7] =	sst s0  }
0x9: {  	[smem:$0x3FA8] =	sst s1  }
0xa: {  	[smem:$0x3FA9] =	sst s2  }
0xb: {  	[smem:$0x3FAA] =	sst s3  }
0xc: {  	[smem:$0x3FAB] =	sst s4  }
0xd: {  	[smem:$0x3FAC] =	sst s5  }
0xe: {  	[smem:$0x3FAD] =	sst s6  }
0xf: {  	[smem:$0x3FAE] =	sst s7  }
0x10: {  	[smem:$0x3FAF] =	sst s8  }
0x11: {  	[smem:$0x3FB0] =	sst s9;
	s0 =	simm.s32 @!p0 $0x0  }
0x12: {  	s1 =	sld [smem:$0x3F96];
	s0 =	simm.s32 @p0 $0x1  }
0x13: {  	[smem:$0x3FB1] =	sst s0;
	s0 =	simm.s32 @!p1 $0x0  }
0x14: {  	s2 =	sld [smem:$0x3F95];
	s0 =	simm.s32 @p1 $0x1  }
0x15: {  	[smem:$0x3FB2] =	sst s0;
	s0 =	simm.s32 @!p2 $0x0  }
0x16: {  	s3 =	sld [smem:$0x3FDB];
	s0 =	simm.s32 @p2 $0x1  }
0x17: {  	s4 =	simm.s32 $0x1BF5;
	[smem:$0x3FB4] =	sst s0  }
0x18: {  	s0 =	sld [smem:$0x3F97];
	_ =	swait.ge [sflag:s4], $0x0  }
0x19: {  	s7 =	sld [smem:$0x3F98]  }
0x1a: {  	s8 =	sadd.s32 $0xFFFFE003, lr  }
0x1b: {  	s9 =	sadd.s32 $0xFFFFFEF7, lr;
	s5 =	simm.s32 $0xFFFFFFFF;
	p2 =	slt.u32 s8, $0xFFFFF086  }
0x1c: {  	p1 =	slt.u32 s9, $0xF7A;
	s5 =	simm.s32 @!p2 $0x0  }
0x1d: {  	s5 =	simm.s32 @p1 $0x1;
	p0 =	seq.s32 s7, s2  }
0x1e: {  	s7 =	smul.u32 @!p0 $0xF7A, s2;
	p2 =	seq.s32 @!p0 s5, $0x0  }
0x1f: {  	s9 =	smul.u32 $0xF7A, s1;
	s8 =	simm.s32 @!p0 $0x1BF5;
	p2 =	por !p2, p0  }
0x20: {  	[sflag:s8] =	ssyncset.s32 @!p0 $0xFFFFF086;
	s6 =	sadd.s32 @!p0 s3, s7;
	s7 =	simm.s32 @!p0 $0x108  }
0x21: {  	s3 =	sadd.s32 s3, s9;
	s6 =	sadd.s32 @!p0 $0x88, s6;
	s7 =	simm.s32 @p2 $0x1082  }
0x22: {  	[simem:s7], [sflag:s8] =	dma.local @!p0 [hbm:s6], $0xF7A  }
0x23: {  	s9 =	sor.u32 $0xD0000000, s2;
	s6 =	simm.s32 $0x108;
	_ =	swait.ge @!p0 [sflag:s8], $0x0  }
0x24: {  	s3 =	sadd.s32 $0x88, s3;
	s6 =	simm.s32 @!p1 $0x1082;
	[sflag:s4] =	ssyncset.s32 $0xFFFFF086  }
0x25: {  	[simem:s6], [sflag:s4] =	dma.local [hbm:s3], $0xF7A  }
0x26: {  	[smem:$0x3F98] =	sst s1;
	(tag) =	ssettag s2;
	_ =	strace s9  }
0x27: {  	s1 =	sld [smem:$0x3FA8]  }
0x28: {  	s2 =	sld [smem:$0x3FA9]  }
0x29: {  	s4 =	sld [smem:$0x3FAB]  }
0x2a: {  	p0 =	seq.s32 s5, $0x0;
	s5 =	sld [smem:$0x3FAC]  }
0x2b: {  	s6 =	sld [smem:$0x3FAD]  }
0x2c: {  	s7 =	sld [smem:$0x3FAE]  }
0x2d: {  	s3 =	simm.s32 $0x108;
	s8 =	sld [smem:$0x3FAF]  }
0x2e: {  	s3 =	simm.s32 @!p0 $0x1082;
	s9 =	sld [smem:$0x3FB0]  }
0x2f: {  	lr =	sadd.s32 s0, s3;
	s0 =	sld [smem:$0x3FA7]  }
0x30: {  	s3 =	sld [smem:$0x3FAA]  }
0x31: {  	[smem:$0x3FB3] =	sst s10  }
0x32: {  	s10 =	sld [smem:$0x3FB1];
	_ =	sdelay $0x3  }
0x33: {  	p0 =	seq.s32 s10, $0x1;
	s10 =	sld [smem:$0x3FB3];
	_ =	sdelay $0x3  }
0x34: {  	[smem:$0x3FB3] =	sst s10  }
0x35: {  	s10 =	sld [smem:$0x3FB2];
	_ =	sdelay $0x3  }
0x36: {  	p1 =	seq.s32 s10, $0x1;
	s10 =	sld [smem:$0x3FB3];
	_ =	sdelay $0x3  }
0x37: {  	[smem:$0x3FB3] =	sst s10  }
0x38: {  	s10 =	sld [smem:$0x3FB4]  }
0x39: {  	_ = 	snop;
	(pc) =	sbr.ind lr, $3  }
0x3a: {  	_ = 	snop  }
0x3b: {  	_ = 	snop  }
0x3c: {  	p2 =	seq.s32 s10, $0x1;
	s10 =	sld [smem:$0x3FB3]  }
0x3d: {  	_ =	shalt  }
0x3e: {  	_ =	shalt  }
0x3f: {  	_ =	shalt  }
0x40: {  	_ =	shalt  }
0x41: {  	_ =	shalt  }
0x42: {  	_ =	shalt  }
0x43: {  	_ =	shalt  }
0x44: {  	_ =	shalt  }
0x45: {  	_ =	shalt  }
0x46: {  	_ =	shalt  }
0x47: {  	_ =	shalt  }
0x48: {  	_ =	shalt  }
0x49: {  	_ =	shalt  }
0x4a: {  	_ =	shalt  }
0x4b: {  	_ =	shalt  }
0x4c: {  	_ =	shalt  }
0x4d: {  	_ =	shalt  }
0x4e: {  	_ =	shalt  }
0x4f: {  	_ =	shalt  }
0x50: {  	_ =	shalt  }
0x51: {  	_ =	shalt  }
0x52: {  	_ =	shalt  }
0x53: {  	_ =	shalt  }
0x54: {  	_ =	shalt  }
0x55: {  	_ =	shalt  }
0x56: {  	_ =	shalt  }
0x57: {  	_ =	shalt  }
0x58: {  	_ =	shalt  }
0x59: {  	_ =	shalt  }
0x5a: {  	_ =	shalt  }
0x5b: {  	_ =	shalt  }
0x5c: {  	_ =	shalt  }
0x5d: {  	_ =	shalt  }
0x5e: {  	_ =	shalt  }
0x5f: {  	_ =	shalt  }
0x60: {  	_ =	shalt  }
0x61: {  	_ =	shalt  }
0x62: {  	_ =	shalt  }
0x63: {  	_ =	shalt  }
0x64: {  	_ =	shalt  }
0x65: {  	_ =	shalt  }
0x66: {  	_ =	shalt  }
0x67: {  	_ =	shalt  }
0x68: {  	_ =	shalt  }
0x69: {  	_ =	shalt  }
0x6a: {  	_ =	shalt  }
0x6b: {  	_ =	shalt  }
0x6c: {  	_ =	shalt  }
0x6d: {  	_ =	shalt  }
0x6e: {  	_ =	shalt  }
0x6f: {  	_ =	shalt  }
0x70: {  	_ =	shalt  }
0x71: {  	_ =	shalt  }
0x72: {  	_ =	shalt  }
0x73: {  	_ =	shalt  }
0x74: {  	_ =	shalt  }
0x75: {  	_ =	shalt  }
0x76: {  	_ =	shalt  }
0x77: {  	_ =	shalt  }
0x78: {  	_ =	shalt  }
0x79: {  	_ =	shalt  }
0x7a: {  	_ =	shalt  }
0x7b: {  	_ =	shalt  }
0x7c: {  	_ =	shalt  }
0x7d: {  	_ =	shalt  }
0x7e: {  	_ =	shalt  }
0x7f: {  	_ =	shalt  }
0x80: {  	_ =	shalt  }
0x81: {  	_ =	shalt  }
0x82: {  	_ =	shalt  }
0x83: {  	_ =	shalt  }
0x84: {  	_ =	shalt  }
0x85: {  	_ =	shalt  }
0x86: {  	_ =	shalt  }
0x87: {  	_ =	shalt  }
.Lfunc_end0:
.L_simem_size_0:
called_computation.1_lowered:
.L_overlay_start_0:
0x88: {  	s2 =	sld [smem:$0x3FD9]  }
0x89: {  	s3 =	sld [smem:$0x3FFE];
	_ =	sdelay $0x1  }
0x8a: {  	s1 =	srdreg.scid  }
0x8b: {  	s0 =	sand.u32 $0x1, s1  }
0x8c: {  	s16 =	sshll.u32 s0, $0xA;
	s2 =	sadd.s32 s3, s2  }
0x8d: {  	s2 =	sadd.s32 s2, s16  }
0x8e: {  	[smem:$0x3FBF] =	sst s2  }
0x8f: {  	_ = 	snop  }
0x90: {  	(tm) =	ssettm $0x1  }
0x91: {  	s17 =	sld [smem:$0x3FFB];
	_ =	sdelay $0x3  }
0x92: {  	_ =	strace s17  }
0x93: {  	s2 =	sld [smem:$0x3FFC];
	_ =	sdelay $0x3  }
0x94: {  	_ =	strace s2  }
0x95: {  	s2 =	sld [smem:$0x3FFD];
	_ =	sdelay $0x3  }
0x96: {  	_ =	strace s2  }
0x97: {  	_ =	strace $0x8FFFFFFF  }
0x98: {  	s18 =	sld [smem:$0x3FDB];
	_ =	sdelay $0x1  }
0x99: {  	s19 =	simm.s32 $_scs_section_size  }
0x9a: {  	s4 =	simm.s32 $_size__tile_overlayer_lowered;
	s5 =	simm.s32 $_tile_overlayer_lowered  }
0x9b: {  	s22 =	simm.s32 $0x1BFF;
	s21 =	sshll.u32 s5, $0x1;
	s2 =	sadd.s32 s19, s18  }
0x9c: {  	s6 =	simm.s32 $0x0;
	s20 =	sshll.u32 s4, $0x1;
	s4 =	sadd.s32 s21, s2  }
0x9d: {  	[timem:s6], [sflag:s22] =	dma.local [hbm:s4], s20  }
0x9e: {  	_ =	swait.ge [sflag:s22], s20  }
0x9f: {  	s3 =	ssub.s32 $0x0, s20;
	[sflag:s22] =	ssyncset.done $0x0  }
0xa0: {  	[sflag:s22] =	ssyncadd.s32 s3;
	_ =	sdelay $0x1  }
0xa1: {  	s23 =	simm.s32 $0x1B8B  }
0xa2: {  	_ =	swait.ge [sflag:s23], $0x1  }
0xa3: {  	[sflag:s23] =	ssyncset.done $0x0  }
0xa4: {  	s25 =	simm.s32 $0x1B8E;
	s24 =	sld [smem:$0x3FFE];
	[sflag:s23] =	ssyncadd.s32 $0xFFFFFFFF  }
0xa5: {  	s26 =	simm.s32 $execute0_lowered;
	[smem:$0x3FD2] =	sst s25  }
0xa6: {  	s4 =	sshll.u32 s26, $0x1;
	_ =	strace $0x80000049;
	[dreg:$0x1] =	wrdreg $0xFFFFFFFF  }
0xa7: {  	s28 =	simm.s32 $_size_execute0_lowered;
	s2 =	sadd.s32 s2, s4;
	[dreg:$0x0] =	wrdreg $0x0  }
0xa8: {  	s4 =	sshll.u32 s28, $0x1;
	[dreg:$0x2] =	wrdreg s2  }
0xa9: {  	[dreg:$0x3] =	wrdreg s4  }
0xaa: {  	[dreg:$0x4] =	wrdreg $0xC0  }
0xab: {  	_ =	task [dreg:s6], $0x5FFFF  }
0xac: {  	[dreg:$0x1] =	wrdreg $0xFFFFFFFF  }
0xad: {  	[dreg:$0x0] =	wrdreg $0x60  }
0xae: {  	[dreg:$0x2] =	wrdreg s24  }
0xaf: {  	[dreg:$0x3] =	wrdreg $0x0  }
0xb0: {  	[dreg:$0x4] =	wrdreg $0x9  }
0xb1: {  	_ =	task.clear_ibuf [dreg:s6], $0x5FFFF;
	_ =	strace $0x90000049  }
0xb2: {  	s29 =	simm.s32 $0x9;
	_ =	strace $0x8000004B  }
0xb3: {  	_ =	swait.ge [sflag:s29], $0x1  }
0xb4: {  	[sflag:s29] =	ssyncadd.s32 $0xFFFFFFFF  }
0xb5: {  	_ =	strace $0x9000004B  }
0xb6: {  	_ =	sfence  }
0xb7: {  	s30 =	sld [smem:$0x0];
	_ =	sdelay $0x2  }
0xb8: {  	s31 =	sshll.u32 s1, $0xD;
	s1 =	sshrl.u32 s1, $0x2  }
0xb9: {  	s3 =	sand.u32 $0x4000, s31;
	s1 =	sadd.s32 s1, s30  }
0xba: {  	s0 =	sor.u32 s3, s0;
	s1 =	sshll.u32 s1, $0x11  }
0xbb: {  	s0 =	sor.u32 s1, s0  }
0xbc: {  	s0 =	sadd.s32 $0x8F2B, s0  }
0xbd: {  	[sflag:s0] =	ssyncadd.remote.s32 $0x1  }
0xbe: {  	_ =	sfence.sel $0xFFFF  }
0xbf: {  	[dreg:$0x0] =	wrdreg $0xFFFFFFFF;
	(pc) =	sbr.abs _section_cstart, $3  }
0xc0: {  	[dreg:$0x1] =	wrdreg $0xFFFFFFFF  }
0xc1: {  	_ =	task.clear_ibuf [dreg:s6], $0x2FFFF;
	_ =	strace $0x9FFFFFFF  }
0xc2: {  	(tm) =	ssettm $0x7FFFFFFF  }
0xc3: {  	_ =	shalt  }
tec
execute0_lowered:
.L_overlay_start_1:
0x0: {  	(tag) =	ssettag $0x1  }
0x1: {  	s0 =	srdreg.scid  }
0x2: {  	s10 =	stileid.u32;
	s3 =	rddreg [dreg:$0x0]  }
0x3: {  	s2 =	rddreg [dreg:$0x1];
	s4 =	simm.s32 $0x0;
	s28 =	simm.s32 $0x14000  }
0x4: {  	s29 =	simm.s32 $0x15400;
	s30 =	simm.s32 $0x7D;
	s5 =	smul.u32 $0x2800, s10  }
0x5: {  	s31 =	simm.s32 $0x16800;
	s0 =	sand.u32 $0x1, s0;
	s7 =	smul.u32 $0x280, s10  }
0x6: {  	[smem:$0x7FF] =	sst s4;
	s4 =	sadd.s32 $0x1E00, s3;
	s25 =	smul.u32 $0x50000, s10  }
0x7: {  	s15 =	sshll.u32 s10, $0x6;
	s10 =	simm.s32 $0x15380;
	s1 =	smul.u32 $0x28000, s0  }
0x8: {  	_ =	strace $0x8000004A;
	s6 =	ssub.s32 $0x2, s0;
	s0 =	smul.u32 $0x2800, s0  }
0x9: {  	s8 =	sshrl.u32 s6, $0x1;
	s11 =	sshrl.u32 s25, $0x2;
	s1 =	sadd.s32 s5, s1  }
0xa: {  	s5 =	sshrl.u32 s5, $0x3;
	s6 =	ssub.s32 s6, s8;
	s0 =	sadd.s32 s7, s0  }
0xb: {  	s7 =	simm.s32 $0x15300;
	s8 =	simm.s32 $0x16680;
	s1 =	sshrl.u32 s1, $0x3  }
0xc: {  	s5 =	sadd.s32 s5, s3;
	s0 =	sshll.u32 s0, $0x4;
	s13 =	smax.u32 s6, $0x1  }
0xd: {  	s6 =	simm.s32 $0x16600;
	s9 =	sadd.s32 $0x59600, s5;
	[dreg:$0x8] =	wrdreg s13  }
0xe: {  	s1 =	sadd.s32 s1, s3;
	s5 =	sadd.s32 $0x59880, s5;
	[dreg:$0x4] =	wrdreg s9  }
0xf: {  	s3 =	sadd.s32 $0x68600, s3;
	s14 =	sadd.s32 s4, s0;
	[dreg:$0x6] =	wrdreg s5  }
0x10: {  	s13 =	sor.u32 $0x1C03, s15;
	s26 =	sadd.s32 $0x5E600, s1;
	[dreg:$0x9] =	wrdreg s14  }
0x11: {  	s17 =	sadd.s32 $0x800, s0;
	s1 =	sadd.s32 $0x5E880, s1;
	[dreg:$0x3] =	wrdreg s26  }
0x12: {  	s20 =	sadd.s32 $0x1000, s0;
	s12 =	sadd.s32 s3, s0;
	[dreg:$0x5] =	wrdreg s1  }
0x13: {  	s23 =	sadd.s32 $0x1800, s0;
	s18 =	sadd.s32 s4, s17;
	[dreg:$0x7] =	wrdreg s12  }
0x14: {  	s9 =	sadd.s32 s11, s2;
	s21 =	sadd.s32 s4, s20;
	[dreg:$0xb] =	wrdreg s18  }
0x15: {  	s24 =	sadd.s32 s4, s23;
	s0 =	sadd.s32 $0x2000, s0;
	[dreg:$0xd] =	wrdreg s21  }
0x16: {  	s23 =	sadd.s32 s3, s23;
	s16 =	sadd.s32 $0x4000, s9;
	[dreg:$0xf] =	wrdreg s24  }
0x17: {  	s5 =	simm.s32 $0x2;
	s19 =	sadd.s32 $0x8000, s9;
	[dreg:$0xa] =	wrdreg s16  }
0x18: {  	s11 =	simm.s32 $0x16700;
	s22 =	sadd.s32 $0xC000, s9;
	[dreg:$0xc] =	wrdreg s19  }
0x19: {  	s14 =	simm.s32 $0x0;
	s25 =	sadd.s32 $0x10000, s9;
	[dreg:$0xe] =	wrdreg s22  }
0x1a: {  	s1 =	sadd.s32 s3, s17;
	s26 =	sadd.s32 s3, s20;
	[dreg:$0x10] =	wrdreg s25  }
0x1b: {  	s24 =	sadd.s32 s3, s0;
	s3 =	simm.s32 $0x1;
	[dreg:$0x11] =	wrdreg s1  }
0x1c: {  	s12 =	simm.s32 $0x16780;
	[dreg:$0x12] =	wrdreg s26;
	s25 =	sadd.s32 s4, s0  }
0x1d: {  	s26 =	simm.s32 $0x3;
	s1 =	simm.s32 $0x14080;
	s0 =	simm.s32 $0x1A800  }
.LBB2_1:
0x1e: {  	s15 =	sshrl.u32 s9, $0x3;
	s16 =	rddreg [dreg:$0x9]  }
0x1f: {  	[spmem:s15], [sflag:s13] =	dma.local [hbm:s16], $0x800  }
0x20: {  	_ =	swait.ge [sflag:s26], $0x800  }
0x21: {  	[sflag:s26] =	ssyncset.done $0x0;
	s18 =	rddreg [dreg:$0xa]  }
0x22: {  	s17 =	rddreg [dreg:$0xb];
	[sflag:s26] =	ssyncadd.s32 $0xFFFFF800;
	s16 =	sshrl.u32 s18, $0x3  }
0x23: {  	[spmem:s16], [sflag:s13] =	dma.local [hbm:s17], $0x800  }
0x24: {  	_ =	swait.ge [sflag:s26], $0x800  }
0x25: {  	[sflag:s26] =	ssyncset.done $0x0;
	s19 =	rddreg [dreg:$0xc]  }
0x26: {  	s18 =	rddreg [dreg:$0xd];
	[sflag:s26] =	ssyncadd.s32 $0xFFFFF800;
	s17 =	sshrl.u32 s19, $0x3  }
0x27: {  	[spmem:s17], [sflag:s13] =	dma.local [hbm:s18], $0x800  }
0x28: {  	_ =	swait.ge [sflag:s26], $0x800  }
0x29: {  	[sflag:s26] =	ssyncset.done $0x0;
	s20 =	rddreg [dreg:$0xe]  }
0x2a: {  	s19 =	rddreg [dreg:$0xf];
	[sflag:s26] =	ssyncadd.s32 $0xFFFFF800;
	s18 =	sshrl.u32 s20, $0x3  }
0x2b: {  	[spmem:s18], [sflag:s13] =	dma.local [hbm:s19], $0x800  }
0x2c: {  	_ =	swait.ge [sflag:s26], $0x800  }
0x2d: {  	[sflag:s26] =	ssyncset.done $0x0;
	s21 =	rddreg [dreg:$0x10]  }
0x2e: {  	[sflag:s26] =	ssyncadd.s32 $0xFFFFF800;
	s19 =	sshrl.u32 s21, $0x3  }
0x2f: {  	[spmem:s19], [sflag:s13] =	dma.local [hbm:s25], $0x800  }
0x30: {  	_ =	swait.ge [sflag:s26], $0x800  }
0x31: {  	[sflag:s26] =	ssyncset.done $0x0  }
0x32: {  	[sflag:s26] =	ssyncadd.s32 $0xFFFFF800  }
0x33: {  	[bflag:$0x0] =	sbarrier.arrive $0xFFFF  }
0x34: {  	s20 =	simm.s32 $0x0;
	s21 =	rddreg [dreg:$0x3]  }
0x35: {  	[tilespmem:s28], [sflag:$0x3] =	stream.linear.gather [hbm4b:s21+s20], $0x1400, $0x38;
	[tilespmem:$0x1E800] =	vst v63  }
0x36: {  	_ =	swait.ge [sflag:s26], $0x1400  }
0x37: {  	[sflag:s26] =	ssyncset.done $0x0  }
0x38: {  	s22 =	rddreg [dreg:$0x4];
	[sflag:s26] =	ssyncadd.s32 $0xFFFFEC00  }
0x39: {  	[tilespmem:s29], [sflag:$0x3] =	stream.linear.gather [hbm4b:s22+s20], $0x1400, $0x38;
	[tilespmem:$0x1E800] =	vst v63  }
0x3a: {  	_ =	swait.ge [sflag:s26], $0x1400  }
0x3b: {  	[sflag:s26] =	ssyncset.done $0x0  }
0x3c: {  	[sflag:s26] =	ssyncadd.s32 $0xFFFFEC00  }
0x3d: {  	[tilespmem:s31], [sflag:$0x1] =	stream.indirect.gather [hbm4b:s4+s30], $0x80, s28, s30, $0xb8;
	[tilespmem:$0x1E800] =	vst v63  }
0x3e: {  	_ = 	snop  }
0x3f: {  	[tilespmem:s0], [sflag:$0x2] =	stream.indirect.gather [hbm4b:s4+s30], $0x80, s1, s30, $0xb8;
	[tilespmem:$0x1E800] =	vst v63  }
0x40: {  	_ =	swait.ge [sflag:s3], $0x3E80  }
0x41: {  	[sflag:s3] =	ssyncset.done $0x0  }
0x42: {  	s22 =	simm.s32 $0x15400;
	[sflag:s3] =	ssyncadd.s32 $0xFFFFC180  }
0x43: {  	[spmem:s2] =	stream.indirect.scatter.add.f32 [tilespmem:s31], [sflag:$0x3], $0x80, s22, s30, $0xb8;
	[tilespmem:$0x1E800] =	vst v63  }
0x44: {  	_ =	swait.ge [sflag:s26], $0x3E80  }
0x45: {  	[sflag:s26] =	ssyncset.done $0x0  }
0x46: {  	s21 =	simm.s32 $0x14100;
	[sflag:s26] =	ssyncadd.s32 $0xFFFFC180  }
0x47: {  	[tilespmem:s31], [sflag:$0x1] =	stream.indirect.gather [hbm4b:s4+s30], $0x80, s21, s30, $0xb8;
	[tilespmem:$0x1E800] =	vst v63  }
0x48: {  	_ =	swait.ge [sflag:s5], $0x3E80  }
0x49: {  	[sflag:s5] =	ssyncset.done $0x0  }
0x4a: {  	s22 =	simm.s32 $0x15480;
	[sflag:s5] =	ssyncadd.s32 $0xFFFFC180  }
0x4b: {  	[spmem:s2] =	stream.indirect.scatter.add.f32 [tilespmem:s0], [sflag:$0x3], $0x80, s22, s30, $0xb8;
	[tilespmem:$0x1E800] =	vst v63  }
0x4c: {  	_ =	swait.ge [sflag:s26], $0x3E80  }
0x4d: {  	[sflag:s26] =	ssyncset.done $0x0  }
0x4e: {  	s20 =	simm.s32 $0x400;
	s21 =	simm.s32 $0x14180;
	[sflag:s26] =	ssyncadd.s32 $0xFFFFC180  }
.LBB2_2:
0x4f: {  	[tilespmem:s0], [sflag:$0x2] =	stream.indirect.gather [hbm4b:s4+s30], $0x80, s21, s30, $0xb8;
	[tilespmem:$0x1E800] =	vst v63  }
0x50: {  	s21 =	smov.u32 s20  }
0x51: {  	p0 =	sne.s32 s20, $0x4400;
	s20 =	sadd.s32 $0x400, s20;
	_ =	swait.ge [sflag:s3], $0x3E80  }
0x52: {  	s21 =	sshra.s32 s21, $0x2;
	[sflag:s3] =	ssyncset.done $0x0  }
0x53: {  	s22 =	sadd.s32 $0x15400, s21;
	[sflag:s3] =	ssyncadd.s32 $0xFFFFC180  }
0x54: {  	[spmem:s2] =	stream.indirect.scatter.add.f32 [tilespmem:s31], [sflag:$0x3], $0x80, s22, s30, $0xb8;
	[tilespmem:$0x1E800] =	vst v63  }
0x55: {  	_ =	swait.ge [sflag:s26], $0x3E80  }
0x56: {  	[sflag:s26] =	ssyncset.done $0x0  }
0x57: {  	s22 =	sadd.s32 $0x14100, s21;
	[sflag:s26] =	ssyncadd.s32 $0xFFFFC180  }
0x58: {  	[tilespmem:s31], [sflag:$0x1] =	stream.indirect.gather [hbm4b:s4+s30], $0x80, s22, s30, $0xb8;
	[tilespmem:$0x1E800] =	vst v63  }
0x59: {  	_ =	swait.ge [sflag:s5], $0x3E80  }
0x5a: {  	[sflag:s5] =	ssyncset.done $0x0  }
.Ltmp0:
0x5b: {  	s22 =	sadd.s32 $0x15480, s21;
	[sflag:s5] =	ssyncadd.s32 $0xFFFFC180;
	(pc) =	sbr.rel @p0 .LBB2_2-.Ltmp0, $4  }
0x5c: {  	[spmem:s2] =	stream.indirect.scatter.add.f32 [tilespmem:s0], [sflag:$0x3], $0x80, s22, s30, $0xb8;
	[tilespmem:$0x1E800] =	vst v63  }
0x5d: {  	_ =	swait.ge [sflag:s26], $0x3E80  }
0x5e: {  	[sflag:s26] =	ssyncset.done $0x0  }
0x5f: {  	s21 =	sadd.s32 $0x14180, s21;
	[sflag:s26] =	ssyncadd.s32 $0xFFFFC180  }
0x60: {  	[tilespmem:s0], [sflag:$0x2] =	stream.indirect.gather [hbm4b:s4+s30], $0x80, s21, s30, $0xb8;
	[tilespmem:$0x1E800] =	vst v63  }
0x61: {  	_ =	swait.ge [sflag:s3], $0x3E80  }
0x62: {  	[sflag:s3] =	ssyncset.done $0x0  }
0x63: {  	[sflag:s3] =	ssyncadd.s32 $0xFFFFC180  }
0x64: {  	[spmem:s2] =	stream.indirect.scatter.add.f32 [tilespmem:s31], [sflag:$0x3], $0x80, s6, s30, $0xb8;
	[tilespmem:$0x1E800] =	vst v63  }
0x65: {  	_ =	swait.ge [sflag:s26], $0x3E80  }
0x66: {  	[sflag:s26] =	ssyncset.done $0x0  }
0x67: {  	[sflag:s26] =	ssyncadd.s32 $0xFFFFC180  }
0x68: {  	[tilespmem:s31], [sflag:$0x1] =	stream.indirect.gather [hbm4b:s4+s30], $0x80, s7, s30, $0xb8;
	[tilespmem:$0x1E800] =	vst v63  }
0x69: {  	_ =	swait.ge [sflag:s5], $0x3E80  }
0x6a: {  	[sflag:s5] =	ssyncset.done $0x0  }
0x6b: {  	[sflag:s5] =	ssyncadd.s32 $0xFFFFC180  }
0x6c: {  	[spmem:s2] =	stream.indirect.scatter.add.f32 [tilespmem:s0], [sflag:$0x3], $0x80, s8, s30, $0xb8;
	[tilespmem:$0x1E800] =	vst v63  }
0x6d: {  	_ =	swait.ge [sflag:s26], $0x3E80  }
0x6e: {  	[sflag:s26] =	ssyncset.done $0x0  }
0x6f: {  	[sflag:s26] =	ssyncadd.s32 $0xFFFFC180  }
0x70: {  	[tilespmem:s0], [sflag:$0x2] =	stream.indirect.gather [hbm4b:s4+s30], $0x80, s10, s30, $0xb8;
	[tilespmem:$0x1E800] =	vst v63  }
0x71: {  	_ =	swait.ge [sflag:s3], $0x3E80  }
0x72: {  	[sflag:s3] =	ssyncset.done $0x0  }
0x73: {  	[sflag:s3] =	ssyncadd.s32 $0xFFFFC180  }
0x74: {  	[spmem:s2] =	stream.indirect.scatter.add.f32 [tilespmem:s31], [sflag:$0x3], $0x80, s11, s30, $0xb8;
	[tilespmem:$0x1E800] =	vst v63  }
0x75: {  	_ =	swait.ge [sflag:s26], $0x3E80  }
0x76: {  	[sflag:s26] =	ssyncset.done $0x0  }
0x77: {  	[sflag:s26] =	ssyncadd.s32 $0xFFFFC180  }
0x78: {  	[tilespmem:s31], [sflag:$0x1] =	stream.indirect.gather [hbm4b:s4+s30], $0x80, s10, s30, $0xb8;
	[tilespmem:$0x1E800] =	vst v63  }
0x79: {  	_ =	swait.ge [sflag:s5], $0x3E80  }
0x7a: {  	[sflag:s5] =	ssyncset.done $0x0  }
0x7b: {  	[sflag:s5] =	ssyncadd.s32 $0xFFFFC180  }
0x7c: {  	[spmem:s2] =	stream.indirect.scatter.add.f32 [tilespmem:s0], [sflag:$0x3], $0x80, s12, s30, $0xb8;
	[tilespmem:$0x1E800] =	vst v63  }
0x7d: {  	_ =	swait.ge [sflag:s26], $0x3E80  }
0x7e: {  	[sflag:s26] =	ssyncset.done $0x0  }
0x7f: {  	[sflag:s26] =	ssyncadd.s32 $0xFFFFC180  }
0x80: {  	[tilespmem:s0], [sflag:$0x2] =	stream.indirect.gather [hbm4b:s4+s30], $0x80, s10, s30, $0xb8;
	[tilespmem:$0x1E800] =	vst v63  }
0x81: {  	_ =	swait.ge [sflag:s3], $0x3E80  }
0x82: {  	[sflag:s3] =	ssyncset.done $0x0  }
0x83: {  	[sflag:s3] =	ssyncadd.s32 $0xFFFFC180  }
0x84: {  	_ =	swait.ge [sflag:s5], $0x3E80  }
0x85: {  	[sflag:s5] =	ssyncset.done $0x0  }
0x86: {  	s20 =	simm.s32 $0x0;
	s22 =	rddreg [dreg:$0x5];
	[sflag:s5] =	ssyncadd.s32 $0xFFFFC180  }
0x87: {  	[tilespmem:s28], [sflag:$0x3] =	stream.linear.gather [hbm4b:s22+s20], $0x1400, $0x38;
	[tilespmem:$0x1E800] =	vst v63  }
0x88: {  	_ =	swait.ge [sflag:s26], $0x1400  }
0x89: {  	[sflag:s26] =	ssyncset.done $0x0  }
0x8a: {  	s22 =	rddreg [dreg:$0x6];
	[sflag:s26] =	ssyncadd.s32 $0xFFFFEC00  }
0x8b: {  	[tilespmem:s29], [sflag:$0x3] =	stream.linear.gather [hbm4b:s22+s20], $0x1400, $0x38;
	[tilespmem:$0x1E800] =	vst v63  }
0x8c: {  	_ =	swait.ge [sflag:s26], $0x1400  }
0x8d: {  	[sflag:s26] =	ssyncset.done $0x0  }
0x8e: {  	[sflag:s26] =	ssyncadd.s32 $0xFFFFEC00  }
0x8f: {  	[tilespmem:s31], [sflag:$0x1] =	stream.indirect.gather [hbm4b:s4+s30], $0x80, s28, s30, $0xb8;
	[tilespmem:$0x1E800] =	vst v63  }
0x90: {  	_ = 	snop  }
0x91: {  	[tilespmem:s0], [sflag:$0x2] =	stream.indirect.gather [hbm4b:s4+s30], $0x80, s1, s30, $0xb8;
	[tilespmem:$0x1E800] =	vst v63  }
0x92: {  	_ =	swait.ge [sflag:s3], $0x3E80  }
0x93: {  	[sflag:s3] =	ssyncset.done $0x0  }
0x94: {  	s22 =	simm.s32 $0x15400;
	[sflag:s3] =	ssyncadd.s32 $0xFFFFC180  }
0x95: {  	[spmem:s2] =	stream.indirect.scatter.add.f32 [tilespmem:s31], [sflag:$0x3], $0x80, s22, s30, $0xb8;
	[tilespmem:$0x1E800] =	vst v63  }
0x96: {  	_ =	swait.ge [sflag:s26], $0x3E80  }
0x97: {  	[sflag:s26] =	ssyncset.done $0x0  }
0x98: {  	s21 =	simm.s32 $0x14100;
	[sflag:s26] =	ssyncadd.s32 $0xFFFFC180  }
0x99: {  	[tilespmem:s31], [sflag:$0x1] =	stream.indirect.gather [hbm4b:s4+s30], $0x80, s21, s30, $0xb8;
	[tilespmem:$0x1E800] =	vst v63  }
0x9a: {  	_ =	swait.ge [sflag:s5], $0x3E80  }
0x9b: {  	[sflag:s5] =	ssyncset.done $0x0  }
0x9c: {  	s22 =	simm.s32 $0x15480;
	[sflag:s5] =	ssyncadd.s32 $0xFFFFC180  }
0x9d: {  	[spmem:s2] =	stream.indirect.scatter.add.f32 [tilespmem:s0], [sflag:$0x3], $0x80, s22, s30, $0xb8;
	[tilespmem:$0x1E800] =	vst v63  }
0x9e: {  	_ =	swait.ge [sflag:s26], $0x3E80  }
0x9f: {  	[sflag:s26] =	ssyncset.done $0x0  }
0xa0: {  	s20 =	simm.s32 $0x400;
	s21 =	simm.s32 $0x14180;
	[sflag:s26] =	ssyncadd.s32 $0xFFFFC180  }
.LBB2_4:
0xa1: {  	[tilespmem:s0], [sflag:$0x2] =	stream.indirect.gather [hbm4b:s4+s30], $0x80, s21, s30, $0xb8;
	[tilespmem:$0x1E800] =	vst v63  }
0xa2: {  	s21 =	smov.u32 s20  }
0xa3: {  	p0 =	sne.s32 s20, $0x4400;
	s20 =	sadd.s32 $0x400, s20;
	_ =	swait.ge [sflag:s3], $0x3E80  }
0xa4: {  	s21 =	sshra.s32 s21, $0x2;
	[sflag:s3] =	ssyncset.done $0x0  }
0xa5: {  	s22 =	sadd.s32 $0x15400, s21;
	[sflag:s3] =	ssyncadd.s32 $0xFFFFC180  }
0xa6: {  	[spmem:s2] =	stream.indirect.scatter.add.f32 [tilespmem:s31], [sflag:$0x3], $0x80, s22, s30, $0xb8;
	[tilespmem:$0x1E800] =	vst v63  }
0xa7: {  	_ =	swait.ge [sflag:s26], $0x3E80  }
0xa8: {  	[sflag:s26] =	ssyncset.done $0x0  }
0xa9: {  	s22 =	sadd.s32 $0x14100, s21;
	[sflag:s26] =	ssyncadd.s32 $0xFFFFC180  }
0xaa: {  	[tilespmem:s31], [sflag:$0x1] =	stream.indirect.gather [hbm4b:s4+s30], $0x80, s22, s30, $0xb8;
	[tilespmem:$0x1E800] =	vst v63  }
0xab: {  	_ =	swait.ge [sflag:s5], $0x3E80  }
0xac: {  	[sflag:s5] =	ssyncset.done $0x0  }
.Ltmp1:
0xad: {  	s22 =	sadd.s32 $0x15480, s21;
	[sflag:s5] =	ssyncadd.s32 $0xFFFFC180;
	(pc) =	sbr.rel @p0 .LBB2_4-.Ltmp1, $4  }
0xae: {  	[spmem:s2] =	stream.indirect.scatter.add.f32 [tilespmem:s0], [sflag:$0x3], $0x80, s22, s30, $0xb8;
	[tilespmem:$0x1E800] =	vst v63  }
0xaf: {  	_ =	swait.ge [sflag:s26], $0x3E80  }
0xb0: {  	[sflag:s26] =	ssyncset.done $0x0  }
0xb1: {  	s21 =	sadd.s32 $0x14180, s21;
	[sflag:s26] =	ssyncadd.s32 $0xFFFFC180  }
0xb2: {  	[tilespmem:s0], [sflag:$0x2] =	stream.indirect.gather [hbm4b:s4+s30], $0x80, s21, s30, $0xb8;
	[tilespmem:$0x1E800] =	vst v63  }
0xb3: {  	_ =	swait.ge [sflag:s3], $0x3E80  }
0xb4: {  	[sflag:s3] =	ssyncset.done $0x0  }
0xb5: {  	[sflag:s3] =	ssyncadd.s32 $0xFFFFC180  }
0xb6: {  	[spmem:s2] =	stream.indirect.scatter.add.f32 [tilespmem:s31], [sflag:$0x3], $0x80, s6, s30, $0xb8;
	[tilespmem:$0x1E800] =	vst v63  }
0xb7: {  	_ =	swait.ge [sflag:s26], $0x3E80  }
0xb8: {  	[sflag:s26] =	ssyncset.done $0x0  }
0xb9: {  	[sflag:s26] =	ssyncadd.s32 $0xFFFFC180  }
0xba: {  	[tilespmem:s31], [sflag:$0x1] =	stream.indirect.gather [hbm4b:s4+s30], $0x80, s7, s30, $0xb8;
	[tilespmem:$0x1E800] =	vst v63  }
0xbb: {  	_ =	swait.ge [sflag:s5], $0x3E80  }
0xbc: {  	[sflag:s5] =	ssyncset.done $0x0  }
0xbd: {  	[sflag:s5] =	ssyncadd.s32 $0xFFFFC180  }
0xbe: {  	[spmem:s2] =	stream.indirect.scatter.add.f32 [tilespmem:s0], [sflag:$0x3], $0x80, s8, s30, $0xb8;
	[tilespmem:$0x1E800] =	vst v63  }
0xbf: {  	_ =	swait.ge [sflag:s26], $0x3E80  }
0xc0: {  	[sflag:s26] =	ssyncset.done $0x0  }
0xc1: {  	[sflag:s26] =	ssyncadd.s32 $0xFFFFC180  }
0xc2: {  	[tilespmem:s0], [sflag:$0x2] =	stream.indirect.gather [hbm4b:s4+s30], $0x80, s10, s30, $0xb8;
	[tilespmem:$0x1E800] =	vst v63  }
0xc3: {  	_ =	swait.ge [sflag:s3], $0x3E80  }
0xc4: {  	[sflag:s3] =	ssyncset.done $0x0  }
0xc5: {  	[sflag:s3] =	ssyncadd.s32 $0xFFFFC180  }
0xc6: {  	[spmem:s2] =	stream.indirect.scatter.add.f32 [tilespmem:s31], [sflag:$0x3], $0x80, s11, s30, $0xb8;
	[tilespmem:$0x1E800] =	vst v63  }
0xc7: {  	_ =	swait.ge [sflag:s26], $0x3E80  }
0xc8: {  	[sflag:s26] =	ssyncset.done $0x0  }
0xc9: {  	[sflag:s26] =	ssyncadd.s32 $0xFFFFC180  }
0xca: {  	[tilespmem:s31], [sflag:$0x1] =	stream.indirect.gather [hbm4b:s4+s30], $0x80, s10, s30, $0xb8;
	[tilespmem:$0x1E800] =	vst v63  }
0xcb: {  	_ =	swait.ge [sflag:s5], $0x3E80  }
0xcc: {  	[sflag:s5] =	ssyncset.done $0x0  }
0xcd: {  	[sflag:s5] =	ssyncadd.s32 $0xFFFFC180  }
0xce: {  	[spmem:s2] =	stream.indirect.scatter.add.f32 [tilespmem:s0], [sflag:$0x3], $0x80, s12, s30, $0xb8;
	[tilespmem:$0x1E800] =	vst v63  }
0xcf: {  	_ =	swait.ge [sflag:s26], $0x3E80  }
0xd0: {  	[sflag:s26] =	ssyncset.done $0x0  }
0xd1: {  	[sflag:s26] =	ssyncadd.s32 $0xFFFFC180  }
0xd2: {  	[tilespmem:s0], [sflag:$0x2] =	stream.indirect.gather [hbm4b:s4+s30], $0x80, s10, s30, $0xb8;
	[tilespmem:$0x1E800] =	vst v63  }
0xd3: {  	_ =	swait.ge [sflag:s3], $0x3E80  }
0xd4: {  	[sflag:s3] =	ssyncset.done $0x0  }
0xd5: {  	[sflag:s3] =	ssyncadd.s32 $0xFFFFC180  }
0xd6: {  	_ =	swait.ge [sflag:s5], $0x3E80  }
0xd7: {  	[sflag:s5] =	ssyncset.done $0x0  }
0xd8: {  	[sflag:s5] =	ssyncadd.s32 $0xFFFFC180  }
0xd9: {  	[bflag:$0x0] =	sbarrier.arrive $0xFFFF  }
0xda: {  	s20 =	rddreg [dreg:$0x7]  }
0xdb: {  	[hbm:s20], [sflag:s13] =	dma.local [spmem:s15], $0x800  }
0xdc: {  	_ =	swait.ge [sflag:s26], $0x800  }
0xdd: {  	[sflag:s26] =	ssyncset.done $0x0  }
0xde: {  	s20 =	rddreg [dreg:$0x11];
	[sflag:s26] =	ssyncadd.s32 $0xFFFFF800  }
0xdf: {  	[hbm:s20], [sflag:s13] =	dma.local [spmem:s16], $0x800  }
0xe0: {  	_ =	swait.ge [sflag:s26], $0x800  }
0xe1: {  	[sflag:s26] =	ssyncset.done $0x0  }
0xe2: {  	s21 =	rddreg [dreg:$0x12];
	[sflag:s26] =	ssyncadd.s32 $0xFFFFF800  }
0xe3: {  	[hbm:s21], [sflag:s13] =	dma.local [spmem:s17], $0x800  }
0xe4: {  	_ =	swait.ge [sflag:s26], $0x800  }
0xe5: {  	[sflag:s26] =	ssyncset.done $0x0  }
0xe6: {  	[sflag:s26] =	ssyncadd.s32 $0xFFFFF800  }
0xe7: {  	[hbm:s23], [sflag:s13] =	dma.local [spmem:s18], $0x800  }
0xe8: {  	_ =	swait.ge [sflag:s26], $0x800  }
0xe9: {  	[sflag:s26] =	ssyncset.done $0x0  }
0xea: {  	[sflag:s26] =	ssyncadd.s32 $0xFFFFF800  }
0xeb: {  	[hbm:s24], [sflag:s13] =	dma.local [spmem:s19], $0x800  }
0xec: {  	_ =	swait.ge [sflag:s26], $0x800  }
0xed: {  	s14 =	sadd.s32 $0x1, s14;
	s22 =	rddreg [dreg:$0x8]  }
0xee: {  	p0 =	sne.s32 s14, s22  }
.Ltmp2:
0xef: {  	_ = 	snop;
	(pc) =	sbr.rel @p0 .LBB2_1-.Ltmp2, $3  }
0xf0: {  	_ =	sdelay $0x1  }
0xf1: {  	[sflag:s26] =	ssyncset.done $0x0  }
0xf2: {  	[sflag:s26] =	ssyncadd.s32 $0xFFFFF800  }
0xf3: {  	_ =	sfence.sel $0x180000  }
0xf4: {  	[bflag:$0x0] =	sbarrier.arrive $0xFFFF  }
0xf5: {  	_ =	strace $0x9000004A  }
0xf6: {  	s0 =	stileid.u32;
	[bflag:$0x2] =	sbarrier.arrive $0xFFFF  }
0xf7: {  	p0 =	sne.s32 s0, $0x0;
	s0 =	rddreg [dreg:$0x2]  }
0xf8: {  	s0 =	sadd.s32 @!p0 $0x100000, s0  }
0xf9: {  	[sflag:s0] =	ssyncadd.tile.s32 @!p0 $0x1;
	_ =	shalt  }
.Lfunc_end2:
_tile_overlayer_lowered:
.L_overlay_start_2:
0xfa: {  	(tag) =	ssettag $0x2  }
0xfb: {  	s0 =	rddreg [dreg:$0x0];
	s2 =	stileid.u32  }
0xfc: {  	s1 =	rddreg [dreg:$0x1];
	p0 =	sne.s32 s2, $0x0  }
0xfd: {  	s3 =	rddreg [dreg:$0x2];
	[bflag:$0x3] =	sbarrier.arrive $0xFFFF;
	s2 =	simm.s32 @!p0 $0x1C03  }
0xfe: {  	[timem:s3], [sflag:s2] =	dma.local @!p0 [hbm:s0], s1  }
0xff: {  	s0 =	simm.s32 @!p0 $0x3  }
0x100: {  	_ =	swait.ge @!p0 [sflag:s0], s1  }
0x101: {  	s1 =	ssub.s32 @!p0 $0x0, s1;
	[sflag:s0] =	ssyncset.done @!p0 $0x0  }
0x102: {  	[sflag:s0] =	ssyncadd.s32 @!p0 s1  }
0x103: {  	[bflag:$0x3] =	sbarrier.arrive $0xFFFF  }
0x104: {  	_ =	shalt  }

// kernel: kernel.14.cloned.1.call-start
scs
__scs_entry_jumppad:
0x0: {  	(pc) =	sbr.rel $0x88, $3  }
0x1: {  	(tag) =	ssettag $0x0;
	lr =	simm.s32 $0x1  }
0x2: {  	[smem:$0x3F98] =	sst lr;
	_ =	strace $0xD0000000  }
0x3: {  	_ = 	snop  }
0x4: {  	_ = 	snop  }
0x5: {  	_ = 	snop  }
0x6: {  	_ = 	snop  }
0x7: {  	_ = 	snop  }
__scs_overlays_trampoline_lowered:
0x8: {  	[smem:$0x3FA7] =	sst s0  }
0x9: {  	[smem:$0x3FA8] =	sst s1  }
0xa: {  	[smem:$0x3FA9] =	sst s2  }
0xb: {  	[smem:$0x3FAA] =	sst s3  }
0xc: {  	[smem:$0x3FAB] =	sst s4  }
0xd: {  	[smem:$0x3FAC] =	sst s5  }
0xe: {  	[smem:$0x3FAD] =	sst s6  }
0xf: {  	[smem:$0x3FAE] =	sst s7  }
0x10: {  	[smem:$0x3FAF] =	sst s8  }
0x11: {  	[smem:$0x3FB0] =	sst s9;
	s0 =	simm.s32 @!p0 $0x0  }
0x12: {  	s1 =	sld [smem:$0x3F96];
	s0 =	simm.s32 @p0 $0x1  }
0x13: {  	[smem:$0x3FB1] =	sst s0;
	s0 =	simm.s32 @!p1 $0x0  }
0x14: {  	s2 =	sld [smem:$0x3F95];
	s0 =	simm.s32 @p1 $0x1  }
0x15: {  	[smem:$0x3FB2] =	sst s0;
	s0 =	simm.s32 @!p2 $0x0  }
0x16: {  	s3 =	sld [smem:$0x3FDB];
	s0 =	simm.s32 @p2 $0x1  }
0x17: {  	s4 =	simm.s32 $0x1BF5;
	[smem:$0x3FB4] =	sst s0  }
0x18: {  	s0 =	sld [smem:$0x3F97];
	_ =	swait.ge [sflag:s4], $0x0  }
0x19: {  	s7 =	sld [smem:$0x3F98]  }
0x1a: {  	s8 =	sadd.s32 $0xFFFFE003, lr  }
0x1b: {  	s9 =	sadd.s32 $0xFFFFFEF7, lr;
	s5 =	simm.s32 $0xFFFFFFFF;
	p2 =	slt.u32 s8, $0xFFFFF086  }
0x1c: {  	p1 =	slt.u32 s9, $0xF7A;
	s5 =	simm.s32 @!p2 $0x0  }
0x1d: {  	s5 =	simm.s32 @p1 $0x1;
	p0 =	seq.s32 s7, s2  }
0x1e: {  	s7 =	smul.u32 @!p0 $0xF7A, s2;
	p2 =	seq.s32 @!p0 s5, $0x0  }
0x1f: {  	s9 =	smul.u32 $0xF7A, s1;
	s8 =	simm.s32 @!p0 $0x1BF5;
	p2 =	por !p2, p0  }
0x20: {  	[sflag:s8] =	ssyncset.s32 @!p0 $0xFFFFF086;
	s6 =	sadd.s32 @!p0 s3, s7;
	s7 =	simm.s32 @!p0 $0x108  }
0x21: {  	s3 =	sadd.s32 s3, s9;
	s6 =	sadd.s32 @!p0 $0x88, s6;
	s7 =	simm.s32 @p2 $0x1082  }
0x22: {  	[simem:s7], [sflag:s8] =	dma.local @!p0 [hbm:s6], $0xF7A  }
0x23: {  	s9 =	sor.u32 $0xD0000000, s2;
	s6 =	simm.s32 $0x108;
	_ =	swait.ge @!p0 [sflag:s8], $0x0  }
0x24: {  	s3 =	sadd.s32 $0x88, s3;
	s6 =	simm.s32 @!p1 $0x1082;
	[sflag:s4] =	ssyncset.s32 $0xFFFFF086  }
0x25: {  	[simem:s6], [sflag:s4] =	dma.local [hbm:s3], $0xF7A  }
0x26: {  	[smem:$0x3F98] =	sst s1;
	(tag) =	ssettag s2;
	_ =	strace s9  }
0x27: {  	s1 =	sld [smem:$0x3FA8]  }
0x28: {  	s2 =	sld [smem:$0x3FA9]  }
0x29: {  	s4 =	sld [smem:$0x3FAB]  }
0x2a: {  	p0 =	seq.s32 s5, $0x0;
	s5 =	sld [smem:$0x3FAC]  }
0x2b: {  	s6 =	sld [smem:$0x3FAD]  }
0x2c: {  	s7 =	sld [smem:$0x3FAE]  }
0x2d: {  	s3 =	simm.s32 $0x108;
	s8 =	sld [smem:$0x3FAF]  }
0x2e: {  	s3 =	simm.s32 @!p0 $0x1082;
	s9 =	sld [smem:$0x3FB0]  }
0x2f: {  	lr =	sadd.s32 s0, s3;
	s0 =	sld [smem:$0x3FA7]  }
0x30: {  	s3 =	sld [smem:$0x3FAA]  }
0x31: {  	[smem:$0x3FB3] =	sst s10  }
0x32: {  	s10 =	sld [smem:$0x3FB1];
	_ =	sdelay $0x3  }
0x33: {  	p0 =	seq.s32 s10, $0x1;
	s10 =	sld [smem:$0x3FB3];
	_ =	sdelay $0x3  }
0x34: {  	[smem:$0x3FB3] =	sst s10  }
0x35: {  	s10 =	sld [smem:$0x3FB2];
	_ =	sdelay $0x3  }
0x36: {  	p1 =	seq.s32 s10, $0x1;
	s10 =	sld [smem:$0x3FB3];
	_ =	sdelay $0x3  }
0x37: {  	[smem:$0x3FB3] =	sst s10  }
0x38: {  	s10 =	sld [smem:$0x3FB4]  }
0x39: {  	_ = 	snop;
	(pc) =	sbr.ind lr, $3  }
0x3a: {  	_ = 	snop  }
0x3b: {  	_ = 	snop  }
0x3c: {  	p2 =	seq.s32 s10, $0x1;
	s10 =	sld [smem:$0x3FB3]  }
0x3d: {  	_ =	shalt  }
0x3e: {  	_ =	shalt  }
0x3f: {  	_ =	shalt  }
0x40: {  	_ =	shalt  }
0x41: {  	_ =	shalt  }
0x42: {  	_ =	shalt  }
0x43: {  	_ =	shalt  }
0x44: {  	_ =	shalt  }
0x45: {  	_ =	shalt  }
0x46: {  	_ =	shalt  }
0x47: {  	_ =	shalt  }
0x48: {  	_ =	shalt  }
0x49: {  	_ =	shalt  }
0x4a: {  	_ =	shalt  }
0x4b: {  	_ =	shalt  }
0x4c: {  	_ =	shalt  }
0x4d: {  	_ =	shalt  }
0x4e: {  	_ =	shalt  }
0x4f: {  	_ =	shalt  }
0x50: {  	_ =	shalt  }
0x51: {  	_ =	shalt  }
0x52: {  	_ =	shalt  }
0x53: {  	_ =	shalt  }
0x54: {  	_ =	shalt  }
0x55: {  	_ =	shalt  }
0x56: {  	_ =	shalt  }
0x57: {  	_ =	shalt  }
0x58: {  	_ =	shalt  }
0x59: {  	_ =	shalt  }
0x5a: {  	_ =	shalt  }
0x5b: {  	_ =	shalt  }
0x5c: {  	_ =	shalt  }
0x5d: {  	_ =	shalt  }
0x5e: {  	_ =	shalt  }
0x5f: {  	_ =	shalt  }
0x60: {  	_ =	shalt  }
0x61: {  	_ =	shalt  }
0x62: {  	_ =	shalt  }
0x63: {  	_ =	shalt  }
0x64: {  	_ =	shalt  }
0x65: {  	_ =	shalt  }
0x66: {  	_ =	shalt  }
0x67: {  	_ =	shalt  }
0x68: {  	_ =	shalt  }
0x69: {  	_ =	shalt  }
0x6a: {  	_ =	shalt  }
0x6b: {  	_ =	shalt  }
0x6c: {  	_ =	shalt  }
0x6d: {  	_ =	shalt  }
0x6e: {  	_ =	shalt  }
0x6f: {  	_ =	shalt  }
0x70: {  	_ =	shalt  }
0x71: {  	_ =	shalt  }
0x72: {  	_ =	shalt  }
0x73: {  	_ =	shalt  }
0x74: {  	_ =	shalt  }
0x75: {  	_ =	shalt  }
0x76: {  	_ =	shalt  }
0x77: {  	_ =	shalt  }
0x78: {  	_ =	shalt  }
0x79: {  	_ =	shalt  }
0x7a: {  	_ =	shalt  }
0x7b: {  	_ =	shalt  }
0x7c: {  	_ =	shalt  }
0x7d: {  	_ =	shalt  }
0x7e: {  	_ =	shalt  }
0x7f: {  	_ =	shalt  }
0x80: {  	_ =	shalt  }
0x81: {  	_ =	shalt  }
0x82: {  	_ =	shalt  }
0x83: {  	_ =	shalt  }
0x84: {  	_ =	shalt  }
0x85: {  	_ =	shalt  }
0x86: {  	_ =	shalt  }
0x87: {  	_ =	shalt  }
.Lfunc_end0:
.L_simem_size_0:
called_computation.2_lowered:
.L_overlay_start_0:
0x88: {  	s2 =	sld [smem:$0x3FD9]  }
0x89: {  	s3 =	sld [smem:$0x3FFE];
	_ =	sdelay $0x1  }
0x8a: {  	s1 =	srdreg.scid  }
0x8b: {  	s0 =	sand.u32 $0x1, s1  }
0x8c: {  	s16 =	sshll.u32 s0, $0xA;
	s2 =	sadd.s32 s3, s2  }
0x8d: {  	s2 =	sadd.s32 s2, s16  }
0x8e: {  	[smem:$0x3FBF] =	sst s2  }
0x8f: {  	_ = 	snop  }
0x90: {  	(tm) =	ssettm $0x1  }
0x91: {  	s17 =	sld [smem:$0x3FFB];
	_ =	sdelay $0x3  }
0x92: {  	_ =	strace s17  }
0x93: {  	s2 =	sld [smem:$0x3FFC];
	_ =	sdelay $0x3  }
0x94: {  	_ =	strace s2  }
0x95: {  	s2 =	sld [smem:$0x3FFD];
	_ =	sdelay $0x3  }
0x96: {  	_ =	strace s2  }
0x97: {  	_ =	strace $0x8FFFFFFF  }
0x98: {  	s18 =	sld [smem:$0x3FDB];
	_ =	sdelay $0x1  }
0x99: {  	s19 =	simm.s32 $_scs_section_size  }
0x9a: {  	s4 =	simm.s32 $_size__tile_overlayer_lowered;
	s5 =	simm.s32 $_tile_overlayer_lowered  }
0x9b: {  	s22 =	simm.s32 $0x1BFF;
	s21 =	sshll.u32 s5, $0x1;
	s2 =	sadd.s32 s19, s18  }
0x9c: {  	s6 =	simm.s32 $0x0;
	s20 =	sshll.u32 s4, $0x1;
	s4 =	sadd.s32 s21, s2  }
0x9d: {  	[timem:s6], [sflag:s22] =	dma.local [hbm:s4], s20  }
0x9e: {  	_ =	swait.ge [sflag:s22], s20  }
0x9f: {  	s3 =	ssub.s32 $0x0, s20;
	[sflag:s22] =	ssyncset.done $0x0  }
0xa0: {  	[sflag:s22] =	ssyncadd.s32 s3;
	_ =	sdelay $0x1  }
0xa1: {  	s23 =	simm.s32 $0x1B8B  }
0xa2: {  	_ =	swait.ge [sflag:s23], $0x1  }
0xa3: {  	[sflag:s23] =	ssyncset.done $0x0  }
0xa4: {  	s25 =	simm.s32 $0x1B8E;
	s24 =	sld [smem:$0x3FFE];
	[sflag:s23] =	ssyncadd.s32 $0xFFFFFFFF  }
0xa5: {  	s26 =	simm.s32 $execute0_lowered;
	[smem:$0x3FD2] =	sst s25  }
0xa6: {  	s4 =	sshll.u32 s26, $0x1;
	_ =	strace $0x8000004C;
	[dreg:$0x1] =	wrdreg $0xFFFFFFFF  }
0xa7: {  	s28 =	simm.s32 $_size_execute0_lowered;
	s2 =	sadd.s32 s2, s4;
	[dreg:$0x0] =	wrdreg $0x0  }
0xa8: {  	s4 =	sshll.u32 s28, $0x1;
	[dreg:$0x2] =	wrdreg s2  }
0xa9: {  	[dreg:$0x3] =	wrdreg s4  }
0xaa: {  	[dreg:$0x4] =	wrdreg $0xC0  }
0xab: {  	_ =	task [dreg:s6], $0x5FFFF  }
0xac: {  	[dreg:$0x1] =	wrdreg $0xFFFFFFFF  }
0xad: {  	[dreg:$0x0] =	wrdreg $0x60  }
0xae: {  	[dreg:$0x2] =	wrdreg s24  }
0xaf: {  	[dreg:$0x3] =	wrdreg $0x0  }
0xb0: {  	[dreg:$0x4] =	wrdreg $0x9  }
0xb1: {  	_ =	task.clear_ibuf [dreg:s6], $0x5FFFF;
	_ =	strace $0x9000004C  }
0xb2: {  	s29 =	simm.s32 $0x9;
	_ =	strace $0x8000004E  }
0xb3: {  	_ =	swait.ge [sflag:s29], $0x1  }
0xb4: {  	[sflag:s29] =	ssyncadd.s32 $0xFFFFFFFF  }
0xb5: {  	_ =	strace $0x9000004E  }
0xb6: {  	_ =	sfence  }
0xb7: {  	s30 =	sld [smem:$0x0];
	_ =	sdelay $0x2  }
0xb8: {  	s31 =	sshll.u32 s1, $0xD;
	s1 =	sshrl.u32 s1, $0x2  }
0xb9: {  	s3 =	sand.u32 $0x4000, s31;
	s1 =	sadd.s32 s1, s30  }
0xba: {  	s0 =	sor.u32 s3, s0;
	s1 =	sshll.u32 s1, $0x11  }
0xbb: {  	s0 =	sor.u32 s1, s0  }
0xbc: {  	s0 =	sadd.s32 $0x8F2B, s0  }
0xbd: {  	[sflag:s0] =	ssyncadd.remote.s32 $0x1  }
0xbe: {  	_ =	sfence.sel $0xFFFF  }
0xbf: {  	[dreg:$0x0] =	wrdreg $0xFFFFFFFF;
	(pc) =	sbr.abs _section_cstart, $3  }
0xc0: {  	[dreg:$0x1] =	wrdreg $0xFFFFFFFF  }
0xc1: {  	_ =	task.clear_ibuf [dreg:s6], $0x2FFFF;
	_ =	strace $0x9FFFFFFF  }
0xc2: {  	(tm) =	ssettm $0x7FFFFFFF  }
0xc3: {  	_ =	shalt  }
tec
execute0_lowered:
.L_overlay_start_1:
0x0: {  	(tag) =	ssettag $0x1  }
0x1: {  	s0 =	srdreg.scid  }
0x2: {  	s10 =	stileid.u32;
	s3 =	rddreg [dreg:$0x0]  }
0x3: {  	s2 =	rddreg [dreg:$0x1];
	s4 =	simm.s32 $0x0;
	s28 =	simm.s32 $0x14000  }
0x4: {  	s29 =	simm.s32 $0x15400;
	s30 =	simm.s32 $0x7D;
	s5 =	smul.u32 $0x2800, s10  }
0x5: {  	s31 =	simm.s32 $0x16800;
	s0 =	sand.u32 $0x1, s0;
	s7 =	smul.u32 $0x280, s10  }
0x6: {  	[smem:$0x7FF] =	sst s4;
	s4 =	sadd.s32 $0x1E00, s3;
	s25 =	smul.u32 $0x50000, s10  }
0x7: {  	s15 =	sshll.u32 s10, $0x6;
	s10 =	simm.s32 $0x15380;
	s1 =	smul.u32 $0x28000, s0  }
0x8: {  	_ =	strace $0x8000004D;
	s6 =	ssub.s32 $0x2, s0;
	s0 =	smul.u32 $0x2800, s0  }
0x9: {  	s8 =	sshrl.u32 s6, $0x1;
	s11 =	sshrl.u32 s25, $0x2;
	s1 =	sadd.s32 s5, s1  }
0xa: {  	s5 =	sshrl.u32 s5, $0x3;
	s6 =	ssub.s32 s6, s8;
	s0 =	sadd.s32 s7, s0  }
0xb: {  	s7 =	simm.s32 $0x15300;
	s8 =	simm.s32 $0x16680;
	s1 =	sshrl.u32 s1, $0x3  }
0xc: {  	s5 =	sadd.s32 s5, s3;
	s0 =	sshll.u32 s0, $0x4;
	s13 =	smax.u32 s6, $0x1  }
0xd: {  	s6 =	simm.s32 $0x16600;
	s9 =	sadd.s32 $0x59600, s5;
	[dreg:$0x8] =	wrdreg s13  }
0xe: {  	s1 =	sadd.s32 s1, s3;
	s5 =	sadd.s32 $0x59880, s5;
	[dreg:$0x4] =	wrdreg s9  }
0xf: {  	s3 =	sadd.s32 $0x68600, s3;
	s14 =	sadd.s32 s4, s0;
	[dreg:$0x6] =	wrdreg s5  }
0x10: {  	s13 =	sor.u32 $0x1C03, s15;
	s26 =	sadd.s32 $0x5E600, s1;
	[dreg:$0x9] =	wrdreg s14  }
0x11: {  	s17 =	sadd.s32 $0x800, s0;
	s1 =	sadd.s32 $0x5E880, s1;
	[dreg:$0x3] =	wrdreg s26  }
0x12: {  	s20 =	sadd.s32 $0x1000, s0;
	s12 =	sadd.s32 s3, s0;
	[dreg:$0x5] =	wrdreg s1  }
0x13: {  	s23 =	sadd.s32 $0x1800, s0;
	s18 =	sadd.s32 s4, s17;
	[dreg:$0x7] =	wrdreg s12  }
0x14: {  	s9 =	sadd.s32 s11, s2;
	s21 =	sadd.s32 s4, s20;
	[dreg:$0xb] =	wrdreg s18  }
0x15: {  	s24 =	sadd.s32 s4, s23;
	s0 =	sadd.s32 $0x2000, s0;
	[dreg:$0xd] =	wrdreg s21  }
0x16: {  	s23 =	sadd.s32 s3, s23;
	s16 =	sadd.s32 $0x4000, s9;
	[dreg:$0xf] =	wrdreg s24  }
0x17: {  	s5 =	simm.s32 $0x2;
	s19 =	sadd.s32 $0x8000, s9;
	[dreg:$0xa] =	wrdreg s16  }
0x18: {  	s11 =	simm.s32 $0x16700;
	s22 =	sadd.s32 $0xC000, s9;
	[dreg:$0xc] =	wrdreg s19  }
0x19: {  	s14 =	simm.s32 $0x0;
	s25 =	sadd.s32 $0x10000, s9;
	[dreg:$0xe] =	wrdreg s22  }
0x1a: {  	s1 =	sadd.s32 s3, s17;
	s26 =	sadd.s32 s3, s20;
	[dreg:$0x10] =	wrdreg s25  }
0x1b: {  	s24 =	sadd.s32 s3, s0;
	s3 =	simm.s32 $0x1;
	[dreg:$0x11] =	wrdreg s1  }
0x1c: {  	s12 =	simm.s32 $0x16780;
	[dreg:$0x12] =	wrdreg s26;
	s25 =	sadd.s32 s4, s0  }
0x1d: {  	s26 =	simm.s32 $0x3;
	s1 =	simm.s32 $0x14080;
	s0 =	simm.s32 $0x1A800  }
.LBB2_1:
0x1e: {  	s15 =	sshrl.u32 s9, $0x3;
	s16 =	rddreg [dreg:$0x9]  }
0x1f: {  	[spmem:s15], [sflag:s13] =	dma.local [hbm:s16], $0x800  }
0x20: {  	_ =	swait.ge [sflag:s26], $0x800  }
0x21: {  	[sflag:s26] =	ssyncset.done $0x0;
	s18 =	rddreg [dreg:$0xa]  }
0x22: {  	s17 =	rddreg [dreg:$0xb];
	[sflag:s26] =	ssyncadd.s32 $0xFFFFF800;
	s16 =	sshrl.u32 s18, $0x3  }
0x23: {  	[spmem:s16], [sflag:s13] =	dma.local [hbm:s17], $0x800  }
0x24: {  	_ =	swait.ge [sflag:s26], $0x800  }
0x25: {  	[sflag:s26] =	ssyncset.done $0x0;
	s19 =	rddreg [dreg:$0xc]  }
0x26: {  	s18 =	rddreg [dreg:$0xd];
	[sflag:s26] =	ssyncadd.s32 $0xFFFFF800;
	s17 =	sshrl.u32 s19, $0x3  }
0x27: {  	[spmem:s17], [sflag:s13] =	dma.local [hbm:s18], $0x800  }
0x28: {  	_ =	swait.ge [sflag:s26], $0x800  }
0x29: {  	[sflag:s26] =	ssyncset.done $0x0;
	s20 =	rddreg [dreg:$0xe]  }
0x2a: {  	s19 =	rddreg [dreg:$0xf];
	[sflag:s26] =	ssyncadd.s32 $0xFFFFF800;
	s18 =	sshrl.u32 s20, $0x3  }
0x2b: {  	[spmem:s18], [sflag:s13] =	dma.local [hbm:s19], $0x800  }
0x2c: {  	_ =	swait.ge [sflag:s26], $0x800  }
0x2d: {  	[sflag:s26] =	ssyncset.done $0x0;
	s21 =	rddreg [dreg:$0x10]  }
0x2e: {  	[sflag:s26] =	ssyncadd.s32 $0xFFFFF800;
	s19 =	sshrl.u32 s21, $0x3  }
0x2f: {  	[spmem:s19], [sflag:s13] =	dma.local [hbm:s25], $0x800  }
0x30: {  	_ =	swait.ge [sflag:s26], $0x800  }
0x31: {  	[sflag:s26] =	ssyncset.done $0x0  }
0x32: {  	[sflag:s26] =	ssyncadd.s32 $0xFFFFF800  }
0x33: {  	[bflag:$0x0] =	sbarrier.arrive $0xFFFF  }
0x34: {  	s20 =	simm.s32 $0x0;
	s21 =	rddreg [dreg:$0x3]  }
0x35: {  	[tilespmem:s28], [sflag:$0x3] =	stream.linear.gather [hbm4b:s21+s20], $0x1400, $0x38;
	[tilespmem:$0x1E800] =	vst v63  }
0x36: {  	_ =	swait.ge [sflag:s26], $0x1400  }
0x37: {  	[sflag:s26] =	ssyncset.done $0x0  }
0x38: {  	s22 =	rddreg [dreg:$0x4];
	[sflag:s26] =	ssyncadd.s32 $0xFFFFEC00  }
0x39: {  	[tilespmem:s29], [sflag:$0x3] =	stream.linear.gather [hbm4b:s22+s20], $0x1400, $0x38;
	[tilespmem:$0x1E800] =	vst v63  }
0x3a: {  	_ =	swait.ge [sflag:s26], $0x1400  }
0x3b: {  	[sflag:s26] =	ssyncset.done $0x0  }
0x3c: {  	[sflag:s26] =	ssyncadd.s32 $0xFFFFEC00  }
0x3d: {  	[tilespmem:s31], [sflag:$0x1] =	stream.indirect.gather [hbm4b:s4+s30], $0x80, s28, s30, $0xb8;
	[tilespmem:$0x1E800] =	vst v63  }
0x3e: {  	_ = 	snop  }
0x3f: {  	[tilespmem:s0], [sflag:$0x2] =	stream.indirect.gather [hbm4b:s4+s30], $0x80, s1, s30, $0xb8;
	[tilespmem:$0x1E800] =	vst v63  }
0x40: {  	_ =	swait.ge [sflag:s3], $0x3E80  }
0x41: {  	[sflag:s3] =	ssyncset.done $0x0  }
0x42: {  	s22 =	simm.s32 $0x15400;
	[sflag:s3] =	ssyncadd.s32 $0xFFFFC180  }
0x43: {  	[spmem:s2] =	stream.indirect.scatter.add.f32 [tilespmem:s31], [sflag:$0x3], $0x80, s22, s30, $0xb8;
	[tilespmem:$0x1E800] =	vst v63  }
0x44: {  	_ =	swait.ge [sflag:s26], $0x3E80  }
0x45: {  	[sflag:s26] =	ssyncset.done $0x0  }
0x46: {  	s21 =	simm.s32 $0x14100;
	[sflag:s26] =	ssyncadd.s32 $0xFFFFC180  }
0x47: {  	[tilespmem:s31], [sflag:$0x1] =	stream.indirect.gather [hbm4b:s4+s30], $0x80, s21, s30, $0xb8;
	[tilespmem:$0x1E800] =	vst v63  }
0x48: {  	_ =	swait.ge [sflag:s5], $0x3E80  }
0x49: {  	[sflag:s5] =	ssyncset.done $0x0  }
0x4a: {  	s22 =	simm.s32 $0x15480;
	[sflag:s5] =	ssyncadd.s32 $0xFFFFC180  }
0x4b: {  	[spmem:s2] =	stream.indirect.scatter.add.f32 [tilespmem:s0], [sflag:$0x3], $0x80, s22, s30, $0xb8;
	[tilespmem:$0x1E800] =	vst v63  }
0x4c: {  	_ =	swait.ge [sflag:s26], $0x3E80  }
0x4d: {  	[sflag:s26] =	ssyncset.done $0x0  }
0x4e: {  	s20 =	simm.s32 $0x400;
	s21 =	simm.s32 $0x14180;
	[sflag:s26] =	ssyncadd.s32 $0xFFFFC180  }
.LBB2_2:
0x4f: {  	[tilespmem:s0], [sflag:$0x2] =	stream.indirect.gather [hbm4b:s4+s30], $0x80, s21, s30, $0xb8;
	[tilespmem:$0x1E800] =	vst v63  }
0x50: {  	s21 =	smov.u32 s20  }
0x51: {  	p0 =	sne.s32 s20, $0x4400;
	s20 =	sadd.s32 $0x400, s20;
	_ =	swait.ge [sflag:s3], $0x3E80  }
0x52: {  	s21 =	sshra.s32 s21, $0x2;
	[sflag:s3] =	ssyncset.done $0x0  }
0x53: {  	s22 =	sadd.s32 $0x15400, s21;
	[sflag:s3] =	ssyncadd.s32 $0xFFFFC180  }
0x54: {  	[spmem:s2] =	stream.indirect.scatter.add.f32 [tilespmem:s31], [sflag:$0x3], $0x80, s22, s30, $0xb8;
	[tilespmem:$0x1E800] =	vst v63  }
0x55: {  	_ =	swait.ge [sflag:s26], $0x3E80  }
0x56: {  	[sflag:s26] =	ssyncset.done $0x0  }
0x57: {  	s22 =	sadd.s32 $0x14100, s21;
	[sflag:s26] =	ssyncadd.s32 $0xFFFFC180  }
0x58: {  	[tilespmem:s31], [sflag:$0x1] =	stream.indirect.gather [hbm4b:s4+s30], $0x80, s22, s30, $0xb8;
	[tilespmem:$0x1E800] =	vst v63  }
0x59: {  	_ =	swait.ge [sflag:s5], $0x3E80  }
0x5a: {  	[sflag:s5] =	ssyncset.done $0x0  }
.Ltmp0:
0x5b: {  	s22 =	sadd.s32 $0x15480, s21;
	[sflag:s5] =	ssyncadd.s32 $0xFFFFC180;
	(pc) =	sbr.rel @p0 .LBB2_2-.Ltmp0, $4  }
0x5c: {  	[spmem:s2] =	stream.indirect.scatter.add.f32 [tilespmem:s0], [sflag:$0x3], $0x80, s22, s30, $0xb8;
	[tilespmem:$0x1E800] =	vst v63  }
0x5d: {  	_ =	swait.ge [sflag:s26], $0x3E80  }
0x5e: {  	[sflag:s26] =	ssyncset.done $0x0  }
0x5f: {  	s21 =	sadd.s32 $0x14180, s21;
	[sflag:s26] =	ssyncadd.s32 $0xFFFFC180  }
0x60: {  	[tilespmem:s0], [sflag:$0x2] =	stream.indirect.gather [hbm4b:s4+s30], $0x80, s21, s30, $0xb8;
	[tilespmem:$0x1E800] =	vst v63  }
0x61: {  	_ =	swait.ge [sflag:s3], $0x3E80  }
0x62: {  	[sflag:s3] =	ssyncset.done $0x0  }
0x63: {  	[sflag:s3] =	ssyncadd.s32 $0xFFFFC180  }
0x64: {  	[spmem:s2] =	stream.indirect.scatter.add.f32 [tilespmem:s31], [sflag:$0x3], $0x80, s6, s30, $0xb8;
	[tilespmem:$0x1E800] =	vst v63  }
0x65: {  	_ =	swait.ge [sflag:s26], $0x3E80  }
0x66: {  	[sflag:s26] =	ssyncset.done $0x0  }
0x67: {  	[sflag:s26] =	ssyncadd.s32 $0xFFFFC180  }
0x68: {  	[tilespmem:s31], [sflag:$0x1] =	stream.indirect.gather [hbm4b:s4+s30], $0x80, s7, s30, $0xb8;
	[tilespmem:$0x1E800] =	vst v63  }
0x69: {  	_ =	swait.ge [sflag:s5], $0x3E80  }
0x6a: {  	[sflag:s5] =	ssyncset.done $0x0  }
0x6b: {  	[sflag:s5] =	ssyncadd.s32 $0xFFFFC180  }
0x6c: {  	[spmem:s2] =	stream.indirect.scatter.add.f32 [tilespmem:s0], [sflag:$0x3], $0x80, s8, s30, $0xb8;
	[tilespmem:$0x1E800] =	vst v63  }
0x6d: {  	_ =	swait.ge [sflag:s26], $0x3E80  }
0x6e: {  	[sflag:s26] =	ssyncset.done $0x0  }
0x6f: {  	[sflag:s26] =	ssyncadd.s32 $0xFFFFC180  }
0x70: {  	[tilespmem:s0], [sflag:$0x2] =	stream.indirect.gather [hbm4b:s4+s30], $0x80, s10, s30, $0xb8;
	[tilespmem:$0x1E800] =	vst v63  }
0x71: {  	_ =	swait.ge [sflag:s3], $0x3E80  }
0x72: {  	[sflag:s3] =	ssyncset.done $0x0  }
0x73: {  	[sflag:s3] =	ssyncadd.s32 $0xFFFFC180  }
0x74: {  	[spmem:s2] =	stream.indirect.scatter.add.f32 [tilespmem:s31], [sflag:$0x3], $0x80, s11, s30, $0xb8;
	[tilespmem:$0x1E800] =	vst v63  }
0x75: {  	_ =	swait.ge [sflag:s26], $0x3E80  }
0x76: {  	[sflag:s26] =	ssyncset.done $0x0  }
0x77: {  	[sflag:s26] =	ssyncadd.s32 $0xFFFFC180  }
0x78: {  	[tilespmem:s31], [sflag:$0x1] =	stream.indirect.gather [hbm4b:s4+s30], $0x80, s10, s30, $0xb8;
	[tilespmem:$0x1E800] =	vst v63  }
0x79: {  	_ =	swait.ge [sflag:s5], $0x3E80  }
0x7a: {  	[sflag:s5] =	ssyncset.done $0x0  }
0x7b: {  	[sflag:s5] =	ssyncadd.s32 $0xFFFFC180  }
0x7c: {  	[spmem:s2] =	stream.indirect.scatter.add.f32 [tilespmem:s0], [sflag:$0x3], $0x80, s12, s30, $0xb8;
	[tilespmem:$0x1E800] =	vst v63  }
0x7d: {  	_ =	swait.ge [sflag:s26], $0x3E80  }
0x7e: {  	[sflag:s26] =	ssyncset.done $0x0  }
0x7f: {  	[sflag:s26] =	ssyncadd.s32 $0xFFFFC180  }
0x80: {  	[tilespmem:s0], [sflag:$0x2] =	stream.indirect.gather [hbm4b:s4+s30], $0x80, s10, s30, $0xb8;
	[tilespmem:$0x1E800] =	vst v63  }
0x81: {  	_ =	swait.ge [sflag:s3], $0x3E80  }
0x82: {  	[sflag:s3] =	ssyncset.done $0x0  }
0x83: {  	[sflag:s3] =	ssyncadd.s32 $0xFFFFC180  }
0x84: {  	_ =	swait.ge [sflag:s5], $0x3E80  }
0x85: {  	[sflag:s5] =	ssyncset.done $0x0  }
0x86: {  	s20 =	simm.s32 $0x0;
	s22 =	rddreg [dreg:$0x5];
	[sflag:s5] =	ssyncadd.s32 $0xFFFFC180  }
0x87: {  	[tilespmem:s28], [sflag:$0x3] =	stream.linear.gather [hbm4b:s22+s20], $0x1400, $0x38;
	[tilespmem:$0x1E800] =	vst v63  }
0x88: {  	_ =	swait.ge [sflag:s26], $0x1400  }
0x89: {  	[sflag:s26] =	ssyncset.done $0x0  }
0x8a: {  	s22 =	rddreg [dreg:$0x6];
	[sflag:s26] =	ssyncadd.s32 $0xFFFFEC00  }
0x8b: {  	[tilespmem:s29], [sflag:$0x3] =	stream.linear.gather [hbm4b:s22+s20], $0x1400, $0x38;
	[tilespmem:$0x1E800] =	vst v63  }
0x8c: {  	_ =	swait.ge [sflag:s26], $0x1400  }
0x8d: {  	[sflag:s26] =	ssyncset.done $0x0  }
0x8e: {  	[sflag:s26] =	ssyncadd.s32 $0xFFFFEC00  }
0x8f: {  	[tilespmem:s31], [sflag:$0x1] =	stream.indirect.gather [hbm4b:s4+s30], $0x80, s28, s30, $0xb8;
	[tilespmem:$0x1E800] =	vst v63  }
0x90: {  	_ = 	snop  }
0x91: {  	[tilespmem:s0], [sflag:$0x2] =	stream.indirect.gather [hbm4b:s4+s30], $0x80, s1, s30, $0xb8;
	[tilespmem:$0x1E800] =	vst v63  }
0x92: {  	_ =	swait.ge [sflag:s3], $0x3E80  }
0x93: {  	[sflag:s3] =	ssyncset.done $0x0  }
0x94: {  	s22 =	simm.s32 $0x15400;
	[sflag:s3] =	ssyncadd.s32 $0xFFFFC180  }
0x95: {  	[spmem:s2] =	stream.indirect.scatter.add.f32 [tilespmem:s31], [sflag:$0x3], $0x80, s22, s30, $0xb8;
	[tilespmem:$0x1E800] =	vst v63  }
0x96: {  	_ =	swait.ge [sflag:s26], $0x3E80  }
0x97: {  	[sflag:s26] =	ssyncset.done $0x0  }
0x98: {  	s21 =	simm.s32 $0x14100;
	[sflag:s26] =	ssyncadd.s32 $0xFFFFC180  }
0x99: {  	[tilespmem:s31], [sflag:$0x1] =	stream.indirect.gather [hbm4b:s4+s30], $0x80, s21, s30, $0xb8;
	[tilespmem:$0x1E800] =	vst v63  }
0x9a: {  	_ =	swait.ge [sflag:s5], $0x3E80  }
0x9b: {  	[sflag:s5] =	ssyncset.done $0x0  }
0x9c: {  	s22 =	simm.s32 $0x15480;
	[sflag:s5] =	ssyncadd.s32 $0xFFFFC180  }
0x9d: {  	[spmem:s2] =	stream.indirect.scatter.add.f32 [tilespmem:s0], [sflag:$0x3], $0x80, s22, s30, $0xb8;
	[tilespmem:$0x1E800] =	vst v63  }
0x9e: {  	_ =	swait.ge [sflag:s26], $0x3E80  }
0x9f: {  	[sflag:s26] =	ssyncset.done $0x0  }
0xa0: {  	s20 =	simm.s32 $0x400;
	s21 =	simm.s32 $0x14180;
	[sflag:s26] =	ssyncadd.s32 $0xFFFFC180  }
.LBB2_4:
0xa1: {  	[tilespmem:s0], [sflag:$0x2] =	stream.indirect.gather [hbm4b:s4+s30], $0x80, s21, s30, $0xb8;
	[tilespmem:$0x1E800] =	vst v63  }
0xa2: {  	s21 =	smov.u32 s20  }
0xa3: {  	p0 =	sne.s32 s20, $0x4400;
	s20 =	sadd.s32 $0x400, s20;
	_ =	swait.ge [sflag:s3], $0x3E80  }
0xa4: {  	s21 =	sshra.s32 s21, $0x2;
	[sflag:s3] =	ssyncset.done $0x0  }
0xa5: {  	s22 =	sadd.s32 $0x15400, s21;
	[sflag:s3] =	ssyncadd.s32 $0xFFFFC180  }
0xa6: {  	[spmem:s2] =	stream.indirect.scatter.add.f32 [tilespmem:s31], [sflag:$0x3], $0x80, s22, s30, $0xb8;
	[tilespmem:$0x1E800] =	vst v63  }
0xa7: {  	_ =	swait.ge [sflag:s26], $0x3E80  }
0xa8: {  	[sflag:s26] =	ssyncset.done $0x0  }
0xa9: {  	s22 =	sadd.s32 $0x14100, s21;
	[sflag:s26] =	ssyncadd.s32 $0xFFFFC180  }
0xaa: {  	[tilespmem:s31], [sflag:$0x1] =	stream.indirect.gather [hbm4b:s4+s30], $0x80, s22, s30, $0xb8;
	[tilespmem:$0x1E800] =	vst v63  }
0xab: {  	_ =	swait.ge [sflag:s5], $0x3E80  }
0xac: {  	[sflag:s5] =	ssyncset.done $0x0  }
.Ltmp1:
0xad: {  	s22 =	sadd.s32 $0x15480, s21;
	[sflag:s5] =	ssyncadd.s32 $0xFFFFC180;
	(pc) =	sbr.rel @p0 .LBB2_4-.Ltmp1, $4  }
0xae: {  	[spmem:s2] =	stream.indirect.scatter.add.f32 [tilespmem:s0], [sflag:$0x3], $0x80, s22, s30, $0xb8;
	[tilespmem:$0x1E800] =	vst v63  }
0xaf: {  	_ =	swait.ge [sflag:s26], $0x3E80  }
0xb0: {  	[sflag:s26] =	ssyncset.done $0x0  }
0xb1: {  	s21 =	sadd.s32 $0x14180, s21;
	[sflag:s26] =	ssyncadd.s32 $0xFFFFC180  }
0xb2: {  	[tilespmem:s0], [sflag:$0x2] =	stream.indirect.gather [hbm4b:s4+s30], $0x80, s21, s30, $0xb8;
	[tilespmem:$0x1E800] =	vst v63  }
0xb3: {  	_ =	swait.ge [sflag:s3], $0x3E80  }
0xb4: {  	[sflag:s3] =	ssyncset.done $0x0  }
0xb5: {  	[sflag:s3] =	ssyncadd.s32 $0xFFFFC180  }
0xb6: {  	[spmem:s2] =	stream.indirect.scatter.add.f32 [tilespmem:s31], [sflag:$0x3], $0x80, s6, s30, $0xb8;
	[tilespmem:$0x1E800] =	vst v63  }
0xb7: {  	_ =	swait.ge [sflag:s26], $0x3E80  }
0xb8: {  	[sflag:s26] =	ssyncset.done $0x0  }
0xb9: {  	[sflag:s26] =	ssyncadd.s32 $0xFFFFC180  }
0xba: {  	[tilespmem:s31], [sflag:$0x1] =	stream.indirect.gather [hbm4b:s4+s30], $0x80, s7, s30, $0xb8;
	[tilespmem:$0x1E800] =	vst v63  }
0xbb: {  	_ =	swait.ge [sflag:s5], $0x3E80  }
0xbc: {  	[sflag:s5] =	ssyncset.done $0x0  }
0xbd: {  	[sflag:s5] =	ssyncadd.s32 $0xFFFFC180  }
0xbe: {  	[spmem:s2] =	stream.indirect.scatter.add.f32 [tilespmem:s0], [sflag:$0x3], $0x80, s8, s30, $0xb8;
	[tilespmem:$0x1E800] =	vst v63  }
0xbf: {  	_ =	swait.ge [sflag:s26], $0x3E80  }
0xc0: {  	[sflag:s26] =	ssyncset.done $0x0  }
0xc1: {  	[sflag:s26] =	ssyncadd.s32 $0xFFFFC180  }
0xc2: {  	[tilespmem:s0], [sflag:$0x2] =	stream.indirect.gather [hbm4b:s4+s30], $0x80, s10, s30, $0xb8;
	[tilespmem:$0x1E800] =	vst v63  }
0xc3: {  	_ =	swait.ge [sflag:s3], $0x3E80  }
0xc4: {  	[sflag:s3] =	ssyncset.done $0x0  }
0xc5: {  	[sflag:s3] =	ssyncadd.s32 $0xFFFFC180  }
0xc6: {  	[spmem:s2] =	stream.indirect.scatter.add.f32 [tilespmem:s31], [sflag:$0x3], $0x80, s11, s30, $0xb8;
	[tilespmem:$0x1E800] =	vst v63  }
0xc7: {  	_ =	swait.ge [sflag:s26], $0x3E80  }
0xc8: {  	[sflag:s26] =	ssyncset.done $0x0  }
0xc9: {  	[sflag:s26] =	ssyncadd.s32 $0xFFFFC180  }
0xca: {  	[tilespmem:s31], [sflag:$0x1] =	stream.indirect.gather [hbm4b:s4+s30], $0x80, s10, s30, $0xb8;
	[tilespmem:$0x1E800] =	vst v63  }
0xcb: {  	_ =	swait.ge [sflag:s5], $0x3E80  }
0xcc: {  	[sflag:s5] =	ssyncset.done $0x0  }
0xcd: {  	[sflag:s5] =	ssyncadd.s32 $0xFFFFC180  }
0xce: {  	[spmem:s2] =	stream.indirect.scatter.add.f32 [tilespmem:s0], [sflag:$0x3], $0x80, s12, s30, $0xb8;
	[tilespmem:$0x1E800] =	vst v63  }
0xcf: {  	_ =	swait.ge [sflag:s26], $0x3E80  }
0xd0: {  	[sflag:s26] =	ssyncset.done $0x0  }
0xd1: {  	[sflag:s26] =	ssyncadd.s32 $0xFFFFC180  }
0xd2: {  	[tilespmem:s0], [sflag:$0x2] =	stream.indirect.gather [hbm4b:s4+s30], $0x80, s10, s30, $0xb8;
	[tilespmem:$0x1E800] =	vst v63  }
0xd3: {  	_ =	swait.ge [sflag:s3], $0x3E80  }
0xd4: {  	[sflag:s3] =	ssyncset.done $0x0  }
0xd5: {  	[sflag:s3] =	ssyncadd.s32 $0xFFFFC180  }
0xd6: {  	_ =	swait.ge [sflag:s5], $0x3E80  }
0xd7: {  	[sflag:s5] =	ssyncset.done $0x0  }
0xd8: {  	[sflag:s5] =	ssyncadd.s32 $0xFFFFC180  }
0xd9: {  	[bflag:$0x0] =	sbarrier.arrive $0xFFFF  }
0xda: {  	s20 =	rddreg [dreg:$0x7]  }
0xdb: {  	[hbm:s20], [sflag:s13] =	dma.local [spmem:s15], $0x800  }
0xdc: {  	_ =	swait.ge [sflag:s26], $0x800  }
0xdd: {  	[sflag:s26] =	ssyncset.done $0x0  }
0xde: {  	s20 =	rddreg [dreg:$0x11];
	[sflag:s26] =	ssyncadd.s32 $0xFFFFF800  }
0xdf: {  	[hbm:s20], [sflag:s13] =	dma.local [spmem:s16], $0x800  }
0xe0: {  	_ =	swait.ge [sflag:s26], $0x800  }
0xe1: {  	[sflag:s26] =	ssyncset.done $0x0  }
0xe2: {  	s21 =	rddreg [dreg:$0x12];
	[sflag:s26] =	ssyncadd.s32 $0xFFFFF800  }
0xe3: {  	[hbm:s21], [sflag:s13] =	dma.local [spmem:s17], $0x800  }
0xe4: {  	_ =	swait.ge [sflag:s26], $0x800  }
0xe5: {  	[sflag:s26] =	ssyncset.done $0x0  }
0xe6: {  	[sflag:s26] =	ssyncadd.s32 $0xFFFFF800  }
0xe7: {  	[hbm:s23], [sflag:s13] =	dma.local [spmem:s18], $0x800  }
0xe8: {  	_ =	swait.ge [sflag:s26], $0x800  }
0xe9: {  	[sflag:s26] =	ssyncset.done $0x0  }
0xea: {  	[sflag:s26] =	ssyncadd.s32 $0xFFFFF800  }
0xeb: {  	[hbm:s24], [sflag:s13] =	dma.local [spmem:s19], $0x800  }
0xec: {  	_ =	swait.ge [sflag:s26], $0x800  }
0xed: {  	s14 =	sadd.s32 $0x1, s14;
	s22 =	rddreg [dreg:$0x8]  }
0xee: {  	p0 =	sne.s32 s14, s22  }
.Ltmp2:
0xef: {  	_ = 	snop;
	(pc) =	sbr.rel @p0 .LBB2_1-.Ltmp2, $3  }
0xf0: {  	_ =	sdelay $0x1  }
0xf1: {  	[sflag:s26] =	ssyncset.done $0x0  }
0xf2: {  	[sflag:s26] =	ssyncadd.s32 $0xFFFFF800  }
0xf3: {  	_ =	sfence.sel $0x180000  }
0xf4: {  	[bflag:$0x0] =	sbarrier.arrive $0xFFFF  }
0xf5: {  	_ =	strace $0x9000004D  }
0xf6: {  	s0 =	stileid.u32;
	[bflag:$0x2] =	sbarrier.arrive $0xFFFF  }
0xf7: {  	p0 =	sne.s32 s0, $0x0;
	s0 =	rddreg [dreg:$0x2]  }
0xf8: {  	s0 =	sadd.s32 @!p0 $0x100000, s0  }
0xf9: {  	[sflag:s0] =	ssyncadd.tile.s32 @!p0 $0x1;
	_ =	shalt  }
.Lfunc_end2:
_tile_overlayer_lowered:
.L_overlay_start_2:
0xfa: {  	(tag) =	ssettag $0x2  }
0xfb: {  	s0 =	rddreg [dreg:$0x0];
	s2 =	stileid.u32  }
0xfc: {  	s1 =	rddreg [dreg:$0x1];
	p0 =	sne.s32 s2, $0x0  }
0xfd: {  	s3 =	rddreg [dreg:$0x2];
	[bflag:$0x3] =	sbarrier.arrive $0xFFFF;
	s2 =	simm.s32 @!p0 $0x1C03  }
0xfe: {  	[timem:s3], [sflag:s2] =	dma.local @!p0 [hbm:s0], s1  }
0xff: {  	s0 =	simm.s32 @!p0 $0x3  }
0x100: {  	_ =	swait.ge @!p0 [sflag:s0], s1  }
0x101: {  	s1 =	ssub.s32 @!p0 $0x0, s1;
	[sflag:s0] =	ssyncset.done @!p0 $0x0  }
0x102: {  	[sflag:s0] =	ssyncadd.s32 @!p0 s1  }
0x103: {  	[bflag:$0x3] =	sbarrier.arrive $0xFFFF  }
0x104: {  	_ =	shalt  }

// kernel: kernel.8.cloned.1.call-start
scs
__scs_entry_jumppad:
0x0: {  	(pc) =	sbr.rel $0x88, $3  }
0x1: {  	(tag) =	ssettag $0x0;
	lr =	simm.s32 $0x1  }
0x2: {  	[smem:$0x3F98] =	sst lr;
	_ =	strace $0xD0000000  }
0x3: {  	_ = 	snop  }
0x4: {  	_ = 	snop  }
0x5: {  	_ = 	snop  }
0x6: {  	_ = 	snop  }
0x7: {  	_ = 	snop  }
__scs_overlays_trampoline_lowered:
0x8: {  	[smem:$0x3FA7] =	sst s0  }
0x9: {  	[smem:$0x3FA8] =	sst s1  }
0xa: {  	[smem:$0x3FA9] =	sst s2  }
0xb: {  	[smem:$0x3FAA] =	sst s3  }
0xc: {  	[smem:$0x3FAB] =	sst s4  }
0xd: {  	[smem:$0x3FAC] =	sst s5  }
0xe: {  	[smem:$0x3FAD] =	sst s6  }
0xf: {  	[smem:$0x3FAE] =	sst s7  }
0x10: {  	[smem:$0x3FAF] =	sst s8  }
0x11: {  	[smem:$0x3FB0] =	sst s9;
	s0 =	simm.s32 @!p0 $0x0  }
0x12: {  	s1 =	sld [smem:$0x3F96];
	s0 =	simm.s32 @p0 $0x1  }
0x13: {  	[smem:$0x3FB1] =	sst s0;
	s0 =	simm.s32 @!p1 $0x0  }
0x14: {  	s2 =	sld [smem:$0x3F95];
	s0 =	simm.s32 @p1 $0x1  }
0x15: {  	[smem:$0x3FB2] =	sst s0;
	s0 =	simm.s32 @!p2 $0x0  }
0x16: {  	s3 =	sld [smem:$0x3FDB];
	s0 =	simm.s32 @p2 $0x1  }
0x17: {  	s4 =	simm.s32 $0x1BF5;
	[smem:$0x3FB4] =	sst s0  }
0x18: {  	s0 =	sld [smem:$0x3F97];
	_ =	swait.ge [sflag:s4], $0x0  }
0x19: {  	s7 =	sld [smem:$0x3F98]  }
0x1a: {  	s8 =	sadd.s32 $0xFFFFE003, lr  }
0x1b: {  	s9 =	sadd.s32 $0xFFFFFEF7, lr;
	s5 =	simm.s32 $0xFFFFFFFF;
	p2 =	slt.u32 s8, $0xFFFFF086  }
0x1c: {  	p1 =	slt.u32 s9, $0xF7A;
	s5 =	simm.s32 @!p2 $0x0  }
0x1d: {  	s5 =	simm.s32 @p1 $0x1;
	p0 =	seq.s32 s7, s2  }
0x1e: {  	s7 =	smul.u32 @!p0 $0xF7A, s2;
	p2 =	seq.s32 @!p0 s5, $0x0  }
0x1f: {  	s9 =	smul.u32 $0xF7A, s1;
	s8 =	simm.s32 @!p0 $0x1BF5;
	p2 =	por !p2, p0  }
0x20: {  	[sflag:s8] =	ssyncset.s32 @!p0 $0xFFFFF086;
	s6 =	sadd.s32 @!p0 s3, s7;
	s7 =	simm.s32 @!p0 $0x108  }
0x21: {  	s3 =	sadd.s32 s3, s9;
	s6 =	sadd.s32 @!p0 $0x88, s6;
	s7 =	simm.s32 @p2 $0x1082  }
0x22: {  	[simem:s7], [sflag:s8] =	dma.local @!p0 [hbm:s6], $0xF7A  }
0x23: {  	s9 =	sor.u32 $0xD0000000, s2;
	s6 =	simm.s32 $0x108;
	_ =	swait.ge @!p0 [sflag:s8], $0x0  }
0x24: {  	s3 =	sadd.s32 $0x88, s3;
	s6 =	simm.s32 @!p1 $0x1082;
	[sflag:s4] =	ssyncset.s32 $0xFFFFF086  }
0x25: {  	[simem:s6], [sflag:s4] =	dma.local [hbm:s3], $0xF7A  }
0x26: {  	[smem:$0x3F98] =	sst s1;
	(tag) =	ssettag s2;
	_ =	strace s9  }
0x27: {  	s1 =	sld [smem:$0x3FA8]  }
0x28: {  	s2 =	sld [smem:$0x3FA9]  }
0x29: {  	s4 =	sld [smem:$0x3FAB]  }
0x2a: {  	p0 =	seq.s32 s5, $0x0;
	s5 =	sld [smem:$0x3FAC]  }
0x2b: {  	s6 =	sld [smem:$0x3FAD]  }
0x2c: {  	s7 =	sld [smem:$0x3FAE]  }
0x2d: {  	s3 =	simm.s32 $0x108;
	s8 =	sld [smem:$0x3FAF]  }
0x2e: {  	s3 =	simm.s32 @!p0 $0x1082;
	s9 =	sld [smem:$0x3FB0]  }
0x2f: {  	lr =	sadd.s32 s0, s3;
	s0 =	sld [smem:$0x3FA7]  }
0x30: {  	s3 =	sld [smem:$0x3FAA]  }
0x31: {  	[smem:$0x3FB3] =	sst s10  }
0x32: {  	s10 =	sld [smem:$0x3FB1];
	_ =	sdelay $0x3  }
0x33: {  	p0 =	seq.s32 s10, $0x1;
	s10 =	sld [smem:$0x3FB3];
	_ =	sdelay $0x3  }
0x34: {  	[smem:$0x3FB3] =	sst s10  }
0x35: {  	s10 =	sld [smem:$0x3FB2];
	_ =	sdelay $0x3  }
0x36: {  	p1 =	seq.s32 s10, $0x1;
	s10 =	sld [smem:$0x3FB3];
	_ =	sdelay $0x3  }
0x37: {  	[smem:$0x3FB3] =	sst s10  }
0x38: {  	s10 =	sld [smem:$0x3FB4]  }
0x39: {  	_ = 	snop;
	(pc) =	sbr.ind lr, $3  }
0x3a: {  	_ = 	snop  }
0x3b: {  	_ = 	snop  }
0x3c: {  	p2 =	seq.s32 s10, $0x1;
	s10 =	sld [smem:$0x3FB3]  }
0x3d: {  	_ =	shalt  }
0x3e: {  	_ =	shalt  }
0x3f: {  	_ =	shalt  }
0x40: {  	_ =	shalt  }
0x41: {  	_ =	shalt  }
0x42: {  	_ =	shalt  }
0x43: {  	_ =	shalt  }
0x44: {  	_ =	shalt  }
0x45: {  	_ =	shalt  }
0x46: {  	_ =	shalt  }
0x47: {  	_ =	shalt  }
0x48: {  	_ =	shalt  }
0x49: {  	_ =	shalt  }
0x4a: {  	_ =	shalt  }
0x4b: {  	_ =	shalt  }
0x4c: {  	_ =	shalt  }
0x4d: {  	_ =	shalt  }
0x4e: {  	_ =	shalt  }
0x4f: {  	_ =	shalt  }
0x50: {  	_ =	shalt  }
0x51: {  	_ =	shalt  }
0x52: {  	_ =	shalt  }
0x53: {  	_ =	shalt  }
0x54: {  	_ =	shalt  }
0x55: {  	_ =	shalt  }
0x56: {  	_ =	shalt  }
0x57: {  	_ =	shalt  }
0x58: {  	_ =	shalt  }
0x59: {  	_ =	shalt  }
0x5a: {  	_ =	shalt  }
0x5b: {  	_ =	shalt  }
0x5c: {  	_ =	shalt  }
0x5d: {  	_ =	shalt  }
0x5e: {  	_ =	shalt  }
0x5f: {  	_ =	shalt  }
0x60: {  	_ =	shalt  }
0x61: {  	_ =	shalt  }
0x62: {  	_ =	shalt  }
0x63: {  	_ =	shalt  }
0x64: {  	_ =	shalt  }
0x65: {  	_ =	shalt  }
0x66: {  	_ =	shalt  }
0x67: {  	_ =	shalt  }
0x68: {  	_ =	shalt  }
0x69: {  	_ =	shalt  }
0x6a: {  	_ =	shalt  }
0x6b: {  	_ =	shalt  }
0x6c: {  	_ =	shalt  }
0x6d: {  	_ =	shalt  }
0x6e: {  	_ =	shalt  }
0x6f: {  	_ =	shalt  }
0x70: {  	_ =	shalt  }
0x71: {  	_ =	shalt  }
0x72: {  	_ =	shalt  }
0x73: {  	_ =	shalt  }
0x74: {  	_ =	shalt  }
0x75: {  	_ =	shalt  }
0x76: {  	_ =	shalt  }
0x77: {  	_ =	shalt  }
0x78: {  	_ =	shalt  }
0x79: {  	_ =	shalt  }
0x7a: {  	_ =	shalt  }
0x7b: {  	_ =	shalt  }
0x7c: {  	_ =	shalt  }
0x7d: {  	_ =	shalt  }
0x7e: {  	_ =	shalt  }
0x7f: {  	_ =	shalt  }
0x80: {  	_ =	shalt  }
0x81: {  	_ =	shalt  }
0x82: {  	_ =	shalt  }
0x83: {  	_ =	shalt  }
0x84: {  	_ =	shalt  }
0x85: {  	_ =	shalt  }
0x86: {  	_ =	shalt  }
0x87: {  	_ =	shalt  }
.Lfunc_end0:
.L_simem_size_0:
called_computation_lowered:
.L_overlay_start_0:
0x88: {  	s2 =	sld [smem:$0x3FD9]  }
0x89: {  	s3 =	sld [smem:$0x3FFE];
	_ =	sdelay $0x1  }
0x8a: {  	s1 =	srdreg.scid  }
0x8b: {  	s0 =	sand.u32 $0x1, s1  }
0x8c: {  	s17 =	sshll.u32 s0, $0xA;
	s2 =	sadd.s32 s3, s2  }
0x8d: {  	s2 =	sadd.s32 s2, s17  }
0x8e: {  	[smem:$0x3FBF] =	sst s2  }
0x8f: {  	_ = 	snop  }
0x90: {  	s2 =	sld [smem:$0x3FD0];
	(tm) =	ssettm $0x1  }
0x91: {  	s18 =	sld [smem:$0x3FFB];
	_ =	sdelay $0x3  }
0x92: {  	_ =	strace s18  }
0x93: {  	s3 =	sld [smem:$0x3FFC];
	_ =	sdelay $0x3  }
0x94: {  	_ =	strace s3  }
0x95: {  	s3 =	sld [smem:$0x3FFD];
	_ =	sdelay $0x3  }
0x96: {  	_ =	strace s3  }
0x97: {  	_ =	strace $0x8FFFFFFF  }
0x98: {  	s19 =	sld [smem:$0x3FDB];
	_ =	sdelay $0x1  }
0x99: {  	s4 =	simm.s32 $_scs_section_size  }
0x9a: {  	s5 =	simm.s32 $_size__tile_overlayer_lowered;
	s6 =	simm.s32 $_tile_overlayer_lowered  }
0x9b: {  	s22 =	simm.s32 $0x1BFF;
	s21 =	sshll.u32 s6, $0x1;
	s3 =	sadd.s32 s4, s19  }
0x9c: {  	s7 =	simm.s32 $0x0;
	s20 =	sshll.u32 s5, $0x1;
	s5 =	sadd.s32 s21, s3  }
0x9d: {  	[timem:s7], [sflag:s22] =	dma.local [hbm:s5], s20  }
0x9e: {  	_ =	swait.ge [sflag:s22], s20  }
0x9f: {  	s4 =	ssub.s32 $0x0, s20;
	[sflag:s22] =	ssyncset.done $0x0  }
0xa0: {  	[sflag:s22] =	ssyncadd.s32 s4;
	_ =	sdelay $0x1  }
0xa1: {  	s23 =	simm.s32 $0x1B8B  }
0xa2: {  	_ =	swait.ge [sflag:s23], $0x1  }
0xa3: {  	[sflag:s23] =	ssyncset.done $0x0  }
0xa4: {  	s25 =	simm.s32 $0x1B8E;
	s24 =	sld [smem:$0x3FFE];
	[sflag:s23] =	ssyncadd.s32 $0xFFFFFFFF  }
0xa5: {  	s26 =	simm.s32 $execute0_lowered;
	[smem:$0x3FD2] =	sst s25  }
0xa6: {  	s5 =	sshll.u32 s26, $0x1;
	_ =	strace $0x80000046;
	[dreg:$0x1] =	wrdreg $0xFFFFFFFF  }
0xa7: {  	s28 =	simm.s32 $_size_execute0_lowered;
	s3 =	sadd.s32 s3, s5;
	[dreg:$0x0] =	wrdreg $0x0  }
0xa8: {  	s5 =	sshll.u32 s28, $0x1;
	[dreg:$0x2] =	wrdreg s3  }
0xa9: {  	[dreg:$0x3] =	wrdreg s5  }
0xaa: {  	[dreg:$0x4] =	wrdreg $0xC0  }
0xab: {  	_ =	task [dreg:s7], $0x5FFFF  }
0xac: {  	[dreg:$0x1] =	wrdreg $0xFFFFFFFF  }
0xad: {  	[dreg:$0x0] =	wrdreg $0x60  }
0xae: {  	[dreg:$0x2] =	wrdreg s24  }
0xaf: {  	[dreg:$0x3] =	wrdreg s2  }
0xb0: {  	[dreg:$0x4] =	wrdreg $0x0  }
0xb1: {  	[dreg:$0x5] =	wrdreg $0x9  }
0xb2: {  	_ =	task.clear_ibuf [dreg:s7], $0x6FFFF;
	_ =	strace $0x90000046  }
0xb3: {  	s29 =	simm.s32 $0x9;
	_ =	strace $0x80000048  }
0xb4: {  	_ =	swait.ge [sflag:s29], $0x1  }
0xb5: {  	[sflag:s29] =	ssyncadd.s32 $0xFFFFFFFF  }
0xb6: {  	_ =	strace $0x90000048  }
0xb7: {  	_ =	sfence  }
0xb8: {  	s30 =	sld [smem:$0x0];
	_ =	sdelay $0x2  }
0xb9: {  	s31 =	sshll.u32 s1, $0xD;
	s1 =	sshrl.u32 s1, $0x2  }
0xba: {  	s3 =	sand.u32 $0x4000, s31;
	s1 =	sadd.s32 s1, s30  }
0xbb: {  	s0 =	sor.u32 s3, s0;
	s1 =	sshll.u32 s1, $0x11  }
0xbc: {  	s0 =	sor.u32 s1, s0  }
0xbd: {  	s0 =	sadd.s32 $0x8F2B, s0  }
0xbe: {  	[sflag:s0] =	ssyncadd.remote.s32 $0x1  }
0xbf: {  	_ =	sfence.sel $0xFFFF  }
0xc0: {  	[dreg:$0x0] =	wrdreg $0xFFFFFFFF;
	(pc) =	sbr.abs _section_cstart, $3  }
0xc1: {  	[dreg:$0x1] =	wrdreg $0xFFFFFFFF  }
0xc2: {  	_ =	task.clear_ibuf [dreg:s7], $0x2FFFF;
	_ =	strace $0x9FFFFFFF  }
0xc3: {  	(tm) =	ssettm $0x7FFFFFFF  }
tec
execute0_lowered:
.L_overlay_start_1:
0x0: {  	(tag) =	ssettag $0x1  }
0x1: {  	s6 =	rddreg [dreg:$0x0]  }
0x2: {  	s0 =	srdreg.scid;
	s2 =	rddreg [dreg:$0x1]  }
0x3: {  	s3 =	rddreg [dreg:$0x2];
	s7 =	sand.u32 $0x1, s0  }
0x4: {  	s0 =	stileid.u32;
	s5 =	smul.u32 $0x14000, s7  }
0x5: {  	s1 =	rddreg [dreg:$0x3];
	s4 =	simm.s32 $0x0;
	s8 =	smul.u32 $0x1400, s0  }
0x6: {  	s14 =	simm.s32 $0x7D;
	[smem:$0x7FF] =	sst s4;
	s9 =	smul.u32 $0x2800, s0  }
0x7: {  	s15 =	simm.s32 $0x0;
	s29 =	smul.u32 $0x28000, s7;
	_ =	strace $0x80000047  }
0x8: {  	s30 =	smul.u32 $0x50000, s0;
	s31 =	ssub.s32 $0x2, s7;
	s11 =	sshll.u32 s0, $0x6  }
0x9: {  	s7 =	sshrl.u32 s31, $0x1;
	s5 =	sadd.s32 s8, s5;
	s8 =	sadd.s32 s9, s29  }
0xa: {  	s9 =	sshrl.u32 s30, $0x2;
	s12 =	ssub.s32 s31, s7;
	s5 =	sshrl.u32 s5, $0x3  }
0xb: {  	s8 =	sadd.s32 s8, s6;
	s13 =	sadd.s32 s9, s3;
	s9 =	smax.u32 s12, $0x1  }
0xc: {  	s12 =	simm.s32 $0x15400;
	s10 =	sadd.s32 s5, s6;
	s5 =	sadd.s32 $0x6E00, s6  }
0xd: {  	s6 =	sor.u32 $0x1C01, s11;
	s8 =	sadd.s32 $0x9600, s8;
	s11 =	simm.s32 $0x1  }
0xe: {  	s7 =	sadd.s32 $0x1E00, s10;
	s10 =	sshrl.u32 s13, $0x3;
	s13 =	simm.s32 $0x14000  }
.LBB2_1:
0xf: {  	[spmem:s10], [sflag:s6] =	dma.local [hbm:s5], $0x2800  }
0x10: {  	_ =	swait.ge [sflag:s11], $0x2800  }
0x11: {  	[sflag:s11] =	ssyncset.done $0x0  }
0x12: {  	[sflag:s11] =	ssyncadd.s32 $0xFFFFD800  }
0x13: {  	[tilespmem:s12], [sflag:$0x1] =	stream.linear.gather [hbm4b:s2+s4], $0x3E80, $0x38;
	[tilespmem:$0x19400] =	vst v63  }
0x14: {  	_ =	swait.ge [sflag:s11], $0x3E80  }
0x15: {  	[sflag:s11] =	ssyncset.done $0x0  }
0x16: {  	[sflag:s11] =	ssyncadd.s32 $0xFFFFC180  }
0x17: {  	[tilespmem:s13], [sflag:$0x1] =	stream.linear.gather [hbm4b:s7+s4], $0x1400, $0x38;
	[tilespmem:$0x19400] =	vst v63  }
0x18: {  	_ =	swait.ge [sflag:s11], $0x1400  }
0x19: {  	[sflag:s11] =	ssyncset.done $0x0  }
0x1a: {  	[sflag:s11] =	ssyncadd.s32 $0xFFFFEC00  }
0x1b: {  	s16 =	simm.s32 $0x14000;
	[bflag:$0x0] =	sbarrier.arrive $0xFFFF  }
0x1c: {  	[spmem:s3] =	stream.indirect.scatter.add.f32 [tilespmem:s12], [sflag:$0x1], $0x80, s16, s14, $0xb8;
	[tilespmem:$0x19400] =	vst v63  }
0x1d: {  	s16 =	simm.s32 $0x200;
	_ =	swait.ge [sflag:s11], $0x3E80  }
.LBB2_2:
0x1e: {  	s17 =	sshra.s32 s16, $0x2;
	[sflag:s11] =	ssyncset.done $0x0;
	p0 =	sne.s32 s16, $0x4E00  }
.Ltmp0:
0x1f: {  	s17 =	sadd.s32 $0x14000, s17;
	[sflag:s11] =	ssyncadd.s32 $0xFFFFC180;
	(pc) =	sbr.rel @p0 .LBB2_2-.Ltmp0, $3  }
0x20: {  	[spmem:s3] =	stream.indirect.scatter.add.f32 [tilespmem:s12], [sflag:$0x1], $0x80, s17, s14, $0xb8;
	[tilespmem:$0x19400] =	vst v63  }
0x21: {  	s16 =	sadd.s32 $0x200, s16;
	_ =	sdelay $0x1  }
0x22: {  	_ =	swait.ge [sflag:s11], $0x3E80  }
0x23: {  	[sflag:s11] =	ssyncset.done $0x0;
	s15 =	sadd.s32 $0x1, s15  }
0x24: {  	[sflag:s11] =	ssyncadd.s32 $0xFFFFC180;
	p0 =	sne.s32 s15, s9  }
.Ltmp1:
0x25: {  	[bflag:$0x0] =	sbarrier.arrive $0xFFFF;
	(pc) =	sbr.rel @p0 .LBB2_1-.Ltmp1, $4  }
0x26: {  	[hbm:s8], [sflag:s6] =	dma.local [spmem:s10], $0x2800  }
0x27: {  	_ =	swait.ge [sflag:s11], $0x2800  }
0x28: {  	[sflag:s11] =	ssyncset.done $0x0  }
0x29: {  	[sflag:s11] =	ssyncadd.s32 $0xFFFFD800  }
0x2a: {  	_ =	sfence.sel $0x180000  }
0x2b: {  	[bflag:$0x0] =	sbarrier.arrive $0xFFFF  }
0x2c: {  	p0 =	sne.s32 s0, $0x0;
	_ =	strace $0x90000047  }
0x2d: {  	s0 =	sadd.s32 @!p0 $0x100000, s1;
	[bflag:$0x2] =	sbarrier.arrive $0xFFFF  }
0x2e: {  	[sflag:s0] =	ssyncadd.tile.s32 @!p0 $0x1;
	_ =	shalt  }
.Lfunc_end2:
_tile_overlayer_lowered:
.L_overlay_start_2:
0x2f: {  	(tag) =	ssettag $0x2  }
0x30: {  	s0 =	rddreg [dreg:$0x0];
	s2 =	stileid.u32  }
0x31: {  	s1 =	rddreg [dreg:$0x1];
	p0 =	sne.s32 s2, $0x0  }
0x32: {  	s3 =	rddreg [dreg:$0x2];
	[bflag:$0x3] =	sbarrier.arrive $0xFFFF;
	s2 =	simm.s32 @!p0 $0x1C01  }
0x33: {  	[timem:s3], [sflag:s2] =	dma.local @!p0 [hbm:s0], s1  }
0x34: {  	s0 =	simm.s32 @!p0 $0x1  }
0x35: {  	_ =	swait.ge @!p0 [sflag:s0], s1  }
0x36: {  	s1 =	ssub.s32 @!p0 $0x0, s1;
	[sflag:s0] =	ssyncset.done @!p0 $0x0  }
0x37: {  	[sflag:s0] =	ssyncadd.s32 @!p0 s1  }
0x38: {  	[bflag:$0x3] =	sbarrier.arrive $0xFFFF  }
0x39: {  	_ =	shalt  }

</sc_bundles>
